<compile_context>
chip_gen: v7x
topology: tpu7x:2x2x1
jax: 0.10.2.dev20260603
libtpu: 0.0.44.dev20260713+nightly
codegen_flags: <defaults>
</compile_context>

<pallas_src>
import functools

import jax
import jax.numpy as jnp
from jax import lax
from jax.experimental import pallas as pl
from jax.experimental.pallas import tpu as pltpu
from jax.experimental.pallas import tpu_sc as plsc

VOCAB = 100000
D = 300
DPB = 512
DW = DPB // 2
H = 768
EPS = 1e-12
B, L = 4096, 50
N = B * L

NC, NS = 2, 16
NW = NC * NS
C = 128
CHUNK_SIZES = (8192, 49152, 49152, 49152, 49152)
assert sum(CHUNK_SIZES) == N

_sc_mesh = plsc.VectorSubcoreMesh(core_axis_name="c", subcore_axis_name="s")


def _make_sc_gather(nchunk):
    rows_per_w = nchunk // NW
    n_steps = rows_per_w // C
    assert rows_per_w % C == 0

    @functools.partial(
        pl.kernel,
        out_type=jax.ShapeDtypeStruct((nchunk, DW), jnp.float32),
        mesh=_sc_mesh,
        scratch_types=[
            pltpu.VMEM((C,), jnp.int32),
            pltpu.VMEM((C, DW), jnp.float32),
            pltpu.SemaphoreType.DMA,
        ],
    )
    def sc_gather(tbl_hbm, idx_hbm, out_hbm, idx_v, rows_v, gsem):
        wid = lax.axis_index("s") * NC + lax.axis_index("c")
        base = wid * rows_per_w

        def step(i, carry):
            off = base + i * C
            pltpu.sync_copy(idx_hbm.at[pl.ds(off, C)], idx_v)
            pltpu.async_copy(tbl_hbm.at[idx_v], rows_v, gsem).wait()
            pltpu.sync_copy(rows_v, out_hbm.at[pl.ds(off, C)])
            return carry

        lax.fori_loop(0, n_steps, step, 0)

    return sc_gather


_sc_gathers = {n: _make_sc_gather(n) for n in sorted(set(CHUNK_SIZES))}


VB = 2048


def _tp_body(xt_ref, o_ref):
    y = xt_ref[...].T
    lo = y[:, :DW].astype(jnp.bfloat16).astype(jnp.float32)
    hi = jnp.concatenate(
        [y[:, DW:], jnp.zeros((VB, DPB - D), jnp.float32)], axis=1
    ).astype(jnp.bfloat16).astype(jnp.float32)
    lo_u = lax.bitcast_convert_type(lo, jnp.uint32)
    hi_u = lax.bitcast_convert_type(hi, jnp.uint32)
    word = (hi_u & jnp.uint32(0xFFFF0000)) | (lo_u >> 16)
    o_ref[...] = lax.bitcast_convert_type(word, jnp.float32)


def _tc_transpose_pad(tbl_t):
    return pl.pallas_call(
        _tp_body,
        grid=((VOCAB + VB - 1) // VB,),
        in_specs=[
            pl.BlockSpec((D, VB), lambda i: (0, i)),
        ],
        out_specs=pl.BlockSpec((VB, DW), lambda i: (i, 0)),
        out_shape=jax.ShapeDtypeStruct((VOCAB, DW), jnp.float32),
    )(tbl_t)


T = 1024


def _tc_body(x_ref, w_ref, b_ref, g2_ref, b2_ref, o_ref):
    u = lax.bitcast_convert_type(x_ref[...], jnp.uint32)
    xlo = lax.bitcast_convert_type(u << 16, jnp.float32)
    xhi = lax.bitcast_convert_type(u & jnp.uint32(0xFFFF0000),
                                   jnp.float32)
    s1 = (jnp.sum(xlo, axis=-1, keepdims=True)
          + jnp.sum(xhi, axis=-1, keepdims=True))
    s2 = (jnp.sum(xlo * xlo, axis=-1, keepdims=True)
          + jnp.sum(xhi * xhi, axis=-1, keepdims=True))
    mu = s1 * (1.0 / D)
    var = s2 * (1.0 / D) - mu * mu
    rstd = lax.rsqrt(var + EPS)
    xh_lo = ((xlo - mu) * rstd).astype(jnp.bfloat16)
    xh_hi = ((xhi - mu) * rstd).astype(jnp.bfloat16)
    y = (jnp.dot(xh_lo, w_ref[:DW, :], preferred_element_type=jnp.float32)
         + jnp.dot(xh_hi, w_ref[DW:, :], preferred_element_type=jnp.float32)
         + b_ref[...])
    y = jnp.maximum(y, 0.0)
    mu2 = jnp.mean(y, axis=-1, keepdims=True)
    var2 = jnp.mean((y - mu2) ** 2, axis=-1, keepdims=True)
    o_ref[...] = (y - mu2) * lax.rsqrt(var2 + EPS) * g2_ref[...] + b2_ref[...]


def _acc_body(acc_ref, x_ref, w_ref, b_ref, g2_ref, b2_ref, o_ref):
    del acc_ref
    _tc_body(x_ref, w_ref, b_ref, g2_ref, b2_ref, o_ref)


def _tc_dense_chunk(blk0, acc, x, w, b, g2, b2):
    nblk = x.shape[0] // T
    args = (x, w, b.reshape(1, H), g2.reshape(1, H), b2.reshape(1, H))
    in_specs = [
        pl.BlockSpec((T, DW), lambda i: (i, 0)),
        pl.BlockSpec((DPB, H), lambda i: (0, 0)),
        pl.BlockSpec((1, H), lambda i: (0, 0)),
        pl.BlockSpec((1, H), lambda i: (0, 0)),
        pl.BlockSpec((1, H), lambda i: (0, 0)),
    ]
    out_spec = pl.BlockSpec((T, H), lambda i, blk0=blk0: (blk0 + i, 0))
    out_shape = jax.ShapeDtypeStruct((N, H), jnp.float32)
    if acc is None:
        return pl.pallas_call(
            _tc_body, grid=(nblk,), in_specs=in_specs,
            out_specs=out_spec, out_shape=out_shape,
        )(*args)
    return pl.pallas_call(
        _acc_body, grid=(nblk,),
        in_specs=[pl.BlockSpec(memory_space=pl.ANY)] + in_specs,
        out_specs=out_spec, out_shape=out_shape,
        input_output_aliases={0: 0},
    )(acc, *args)


def kernel(input_ids, emb_table, ln1_gamma, ln1_beta, W, b, ln2_gamma, ln2_beta):
    ids = input_ids.astype(jnp.int32).T.reshape(-1)
    pad = DPB - D
    tbl = _tc_transpose_pad(emb_table.T)
    w = jnp.pad(ln1_gamma[:, None] * W, ((0, pad), (0, 0))).astype(jnp.bfloat16)
    bias = b + ln1_beta @ W
    out = None
    tok0 = 0
    for nchunk in CHUNK_SIZES:
        ids_k = lax.slice(ids, (tok0,), (tok0 + nchunk,))
        g_k = _sc_gathers[nchunk](tbl, ids_k)
        out = _tc_dense_chunk(tok0 // T, out, g_k, w, bias,
                              ln2_gamma, ln2_beta)
        tok0 += nchunk
    return out.reshape(L, B, H).transpose(1, 0, 2)

# --- scband reference (transcript-rebuilt; emitter-appended) ---
"""Pipeline reference for scband-text-embedding-65773129170971 (READ-ONLY COPY).

The authoritative reference and input builder live on the scoring server;
editing this copy changes nothing except your own understanding.
"""

import jax, jax.numpy as jnp
import numpy as np

VOCAB = 100000
WORD_DIM = 300
HIDDEN = 768
EPS = 1e-12
B, L = 4096, 50

def _layernorm(x, gamma, beta, eps):
    mu = jnp.mean(x, axis=-1, keepdims=True)
    var = jnp.mean((x - mu) ** 2, axis=-1, keepdims=True)
    xhat = (x - mu) / jnp.sqrt(var + eps)
    return xhat * gamma + beta

def setup_inputs(seed: int = 0) -> dict:
    key = jax.random.key(seed)
    k1, k2, k3, k4 = jax.random.split(key, 4)
    input_ids = jax.random.randint(k1, (B, L), 0, VOCAB, dtype=jnp.int64)
    emb_table = jax.random.normal(k2, (VOCAB, WORD_DIM), dtype=jnp.float32) * 0.02
    emb_table = emb_table.at[0].set(0.0)  # padding_idx=0
    ln1_gamma = jnp.ones((WORD_DIM,), dtype=jnp.float32)
    ln1_beta = jnp.zeros((WORD_DIM,), dtype=jnp.float32)
    W = jax.random.normal(k3, (WORD_DIM, HIDDEN), dtype=jnp.float32) * (1.0 / np.sqrt(WORD_DIM))
    b = jnp.zeros((HIDDEN,), dtype=jnp.float32)
    ln2_gamma = jnp.ones((HIDDEN,), dtype=jnp.float32)
    ln2_beta = jnp.zeros((HIDDEN,), dtype=jnp.float32)
    return {"input_ids": input_ids, "emb_table": emb_table, "ln1_gamma": ln1_gamma, "ln1_beta": ln1_beta, "W": W, "b": b, "ln2_gamma": ln2_gamma, "ln2_beta": ln2_beta}

def reference(input_ids, emb_table, ln1_gamma, ln1_beta, W, b, ln2_gamma, ln2_beta):
    # nn.Embedding lookup (gather)
    emb = jnp.take(emb_table, input_ids, axis=0)  # [B, L, WORD_DIM]
    # word_fc: LayerNorm -> Dropout(eval: identity) -> Linear -> ReLU -> LayerNorm
    x = _layernorm(emb, ln1_gamma, ln1_beta, EPS)
    x = jnp.dot(x, W) + b
    x = jax.nn.relu(x)
    x = _layernorm(x, ln2_gamma, ln2_beta, EPS)
    return x

if __name__ == "__main__":
    import jax
    _d = setup_inputs()
    print(jax.jit(kernel)(*tuple(_d.values())))

</pallas_src>

<mosaic_0001>
#map = affine_map<(d0, d1) -> (0, 0)>
#map1 = affine_map<(d0, d1) -> (0)>
module attributes {stable_mosaic.version = 14 : i64} {
  func.func @sc_gather(%arg0: i32, %arg1: i32, %arg2: memref<100000x256xf32, #tpu.memory_space<hbm>>, %arg3: memref<49152xi32, #tpu.memory_space<hbm>>, %arg4: memref<49152x256xf32, #tpu.memory_space<hbm>>, %arg5: memref<128xi32, #tpu.memory_space<vmem>>, %arg6: memref<128x256xf32, #tpu.memory_space<vmem>>, %arg7: memref<!tpu.dma_semaphore, #tpu.memory_space<semaphore_mem>>) attributes {dimension_semantics = [#tpu.dimension_semantics<core_parallel>, #tpu.dimension_semantics<subcore_parallel>], iteration_bounds = array<i64: 2, 16>, scalar_prefetch = 0 : i64, scratch_operands = 3 : i64, tpu.core_type = #tpu.core_type<sc_vector_subcore>, window_params = [{transform_indices = #map}, {transform_indices = #map1}, {transform_indices = #map}]} {
    %mul3A = arith.constant 2 : i32
    %mul3A_0 = arith.muli %arg1, %mul3A : i32
    %add3A = arith.addi %mul3A_0, %arg0 : i32
    %mul3A_1 = arith.constant 1536 : i32
    %mul3A_2 = arith.muli %add3A, %mul3A_1 : i32
    %scan3A = arith.constant 0 : i32
    %scan3A_3 = arith.constant 0 : i32
    %scan3A_4 = arith.constant 12 : i32
    %scan3A_5 = arith.addi %scan3A_3, %scan3A_4 : i32
    %scan3A_6 = arith.constant 1 : i32
    scf.for %scan3A_8 = %scan3A_3 to %scan3A_5 step %scan3A_6  : i32 {
      %mul3A_9 = arith.constant 128 : i32
      %mul3A_10 = arith.muli %scan3A_8, %mul3A_9 : i32
      %add3A_11 = arith.addi %mul3A_2, %mul3A_10 : i32
      "tpu.region"() ({
        %run_scoped3A = tpu.sem_alloc : memref<!tpu.dma_semaphore, #tpu.memory_space<semaphore_mem>>
        %dma_start3A_16 = tpu.memref_slice %arg3[%add3A_11] : memref<49152xi32, #tpu.memory_space<hbm>> -> memref<128xi32, #tpu.memory_space<hbm>>
        %dma_start3A_17 = tpu.memref_slice %arg3[%add3A_11] : memref<49152xi32, #tpu.memory_space<hbm>> -> memref<128xi32, #tpu.memory_space<hbm>>
        tpu.enqueue_dma source(%dma_start3A_17 : memref<128xi32, #tpu.memory_space<hbm>>) target(%arg5 : memref<128xi32, #tpu.memory_space<vmem>>) target_semaphore(%run_scoped3A : memref<!tpu.dma_semaphore, #tpu.memory_space<semaphore_mem>>)
        %dma_wait3A_18 = tpu.memref_slice %arg3[%add3A_11] : memref<49152xi32, #tpu.memory_space<hbm>> -> memref<128xi32, #tpu.memory_space<hbm>>
        %dma_wait3A_19 = tpu.memref_slice %arg3[%add3A_11] : memref<49152xi32, #tpu.memory_space<hbm>> -> memref<128xi32, #tpu.memory_space<hbm>>
        tpu.wait_dma2 semaphore(%run_scoped3A : memref<!tpu.dma_semaphore, #tpu.memory_space<semaphore_mem>>) src(%dma_wait3A_19 : memref<128xi32, #tpu.memory_space<hbm>>) dst(%arg5 : memref<128xi32, #tpu.memory_space<vmem>>)
        tpu.yield
      }) : () -> ()
      %dma_start3A = arith.constant 0 : i32
      %dma_start3A_12 = arith.constant 0 : i32
      %dma_start3A_13 = tpu.memref_slice %arg2[%dma_start3A, %dma_start3A_12] : memref<100000x256xf32, #tpu.memory_space<hbm>> -> memref<100000x256xf32, #tpu.memory_space<hbm>>
      tpu.enqueue_indirect_dma source(%dma_start3A_13 : memref<100000x256xf32, #tpu.memory_space<hbm>>) target(%arg6 : memref<128x256xf32, #tpu.memory_space<vmem>>) offsets(%arg5 : memref<128xi32, #tpu.memory_space<vmem>>) semaphore(%arg7 : memref<!tpu.dma_semaphore, #tpu.memory_space<semaphore_mem>>)
      %dma_wait3A = arith.constant 0 : i32
      %dma_wait3A_14 = arith.constant 0 : i32
      %dma_wait3A_15 = tpu.memref_slice %arg2[%dma_wait3A, %dma_wait3A_14] : memref<100000x256xf32, #tpu.memory_space<hbm>> -> memref<100000x256xf32, #tpu.memory_space<hbm>>
      tpu.wait_indirect_dma semaphore(%arg7 : memref<!tpu.dma_semaphore, #tpu.memory_space<semaphore_mem>>) src(%dma_wait3A_15 : memref<100000x256xf32, #tpu.memory_space<hbm>>) dst(%arg6 : memref<128x256xf32, #tpu.memory_space<vmem>>)
      "tpu.region"() ({
        %run_scoped3A = tpu.sem_alloc : memref<!tpu.dma_semaphore, #tpu.memory_space<semaphore_mem>>
        %dma_start3A_16 = arith.constant 0 : i32
        %dma_start3A_17 = tpu.memref_slice %arg4[%add3A_11, %dma_start3A_16] : memref<49152x256xf32, #tpu.memory_space<hbm>> -> memref<128x256xf32, #tpu.memory_space<hbm>>
        %dma_start3A_18 = arith.constant 0 : i32
        %dma_start3A_19 = tpu.memref_slice %arg4[%add3A_11, %dma_start3A_18] : memref<49152x256xf32, #tpu.memory_space<hbm>> -> memref<128x256xf32, #tpu.memory_space<hbm>>
        tpu.enqueue_dma source(%arg6 : memref<128x256xf32, #tpu.memory_space<vmem>>) target(%dma_start3A_19 : memref<128x256xf32, #tpu.memory_space<hbm>>) target_semaphore(%run_scoped3A : memref<!tpu.dma_semaphore, #tpu.memory_space<semaphore_mem>>)
        %dma_wait3A_20 = arith.constant 0 : i32
        %dma_wait3A_21 = tpu.memref_slice %arg4[%add3A_11, %dma_wait3A_20] : memref<49152x256xf32, #tpu.memory_space<hbm>> -> memref<128x256xf32, #tpu.memory_space<hbm>>
        %dma_wait3A_22 = arith.constant 0 : i32
        %dma_wait3A_23 = tpu.memref_slice %arg4[%add3A_11, %dma_wait3A_22] : memref<49152x256xf32, #tpu.memory_space<hbm>> -> memref<128x256xf32, #tpu.memory_space<hbm>>
        tpu.wait_dma2 semaphore(%run_scoped3A : memref<!tpu.dma_semaphore, #tpu.memory_space<semaphore_mem>>) src(%arg6 : memref<128x256xf32, #tpu.memory_space<vmem>>) dst(%dma_wait3A_23 : memref<128x256xf32, #tpu.memory_space<hbm>>)
        tpu.yield
      }) : () -> ()
    }
    %scan3A_7 = arith.constant 12 : i32
    return
  }
}

#map = affine_map<(d0, d1) -> (0, 0)>
#map1 = affine_map<(d0, d1) -> (0)>
module attributes {stable_mosaic.version = 14 : i64} {
  func.func @sc_gather(%arg0: i32, %arg1: i32, %arg2: memref<100000x256xf32, #tpu.memory_space<hbm>>, %arg3: memref<49152xi32, #tpu.memory_space<hbm>>, %arg4: memref<49152x256xf32, #tpu.memory_space<hbm>>, %arg5: memref<128xi32, #tpu.memory_space<vmem>>, %arg6: memref<128x256xf32, #tpu.memory_space<vmem>>, %arg7: memref<!tpu.dma_semaphore, #tpu.memory_space<semaphore_mem>>) attributes {dimension_semantics = [#tpu.dimension_semantics<core_parallel>, #tpu.dimension_semantics<subcore_parallel>], iteration_bounds = array<i64: 2, 16>, scalar_prefetch = 0 : i64, scratch_operands = 3 : i64, tpu.core_type = #tpu.core_type<sc_vector_subcore>, window_params = [{transform_indices = #map}, {transform_indices = #map1}, {transform_indices = #map}]} {
    %mul3A = arith.constant 2 : i32
    %mul3A_0 = arith.muli %arg1, %mul3A : i32
    %add3A = arith.addi %mul3A_0, %arg0 : i32
    %mul3A_1 = arith.constant 1536 : i32
    %mul3A_2 = arith.muli %add3A, %mul3A_1 : i32
    %scan3A = arith.constant 0 : i32
    %scan3A_3 = arith.constant 0 : i32
    %scan3A_4 = arith.constant 12 : i32
    %scan3A_5 = arith.addi %scan3A_3, %scan3A_4 : i32
    %scan3A_6 = arith.constant 1 : i32
    scf.for %scan3A_8 = %scan3A_3 to %scan3A_5 step %scan3A_6  : i32 {
      %mul3A_9 = arith.constant 128 : i32
      %mul3A_10 = arith.muli %scan3A_8, %mul3A_9 : i32
      %add3A_11 = arith.addi %mul3A_2, %mul3A_10 : i32
      "tpu.region"() ({
        %run_scoped3A = tpu.sem_alloc : memref<!tpu.dma_semaphore, #tpu.memory_space<semaphore_mem>>
        %dma_start3A_16 = tpu.memref_slice %arg3[%add3A_11] : memref<49152xi32, #tpu.memory_space<hbm>> -> memref<128xi32, #tpu.memory_space<hbm>>
        %dma_start3A_17 = tpu.memref_slice %arg3[%add3A_11] : memref<49152xi32, #tpu.memory_space<hbm>> -> memref<128xi32, #tpu.memory_space<hbm>>
        tpu.enqueue_dma source(%dma_start3A_17 : memref<128xi32, #tpu.memory_space<hbm>>) target(%arg5 : memref<128xi32, #tpu.memory_space<vmem>>) target_semaphore(%run_scoped3A : memref<!tpu.dma_semaphore, #tpu.memory_space<semaphore_mem>>)
        %dma_wait3A_18 = tpu.memref_slice %arg3[%add3A_11] : memref<49152xi32, #tpu.memory_space<hbm>> -> memref<128xi32, #tpu.memory_space<hbm>>
        %dma_wait3A_19 = tpu.memref_slice %arg3[%add3A_11] : memref<49152xi32, #tpu.memory_space<hbm>> -> memref<128xi32, #tpu.memory_space<hbm>>
        tpu.wait_dma2 semaphore(%run_scoped3A : memref<!tpu.dma_semaphore, #tpu.memory_space<semaphore_mem>>) src(%dma_wait3A_19 : memref<128xi32, #tpu.memory_space<hbm>>) dst(%arg5 : memref<128xi32, #tpu.memory_space<vmem>>)
        tpu.yield
      }) : () -> ()
      %dma_start3A = arith.constant 0 : i32
      %dma_start3A_12 = arith.constant 0 : i32
      %dma_start3A_13 = tpu.memref_slice %arg2[%dma_start3A, %dma_start3A_12] : memref<100000x256xf32, #tpu.memory_space<hbm>> -> memref<100000x256xf32, #tpu.memory_space<hbm>>
      tpu.enqueue_indirect_dma source(%dma_start3A_13 : memref<100000x256xf32, #tpu.memory_space<hbm>>) target(%arg6 : memref<128x256xf32, #tpu.memory_space<vmem>>) offsets(%arg5 : memref<128xi32, #tpu.memory_space<vmem>>) semaphore(%arg7 : memref<!tpu.dma_semaphore, #tpu.memory_space<semaphore_mem>>)
      %dma_wait3A = arith.constant 0 : i32
      %dma_wait3A_14 = arith.constant 0 : i32
      %dma_wait3A_15 = tpu.memref_slice %arg2[%dma_wait3A, %dma_wait3A_14] : memref<100000x256xf32, #tpu.memory_space<hbm>> -> memref<100000x256xf32, #tpu.memory_space<hbm>>
      tpu.wait_indirect_dma semaphore(%arg7 : memref<!tpu.dma_semaphore, #tpu.memory_space<semaphore_mem>>) src(%dma_wait3A_15 : memref<100000x256xf32, #tpu.memory_space<hbm>>) dst(%arg6 : memref<128x256xf32, #tpu.memory_space<vmem>>)
      "tpu.region"() ({
        %run_scoped3A = tpu.sem_alloc : memref<!tpu.dma_semaphore, #tpu.memory_space<semaphore_mem>>
        %dma_start3A_16 = arith.constant 0 : i32
        %dma_start3A_17 = tpu.memref_slice %arg4[%add3A_11, %dma_start3A_16] : memref<49152x256xf32, #tpu.memory_space<hbm>> -> memref<128x256xf32, #tpu.memory_space<hbm>>
        %dma_start3A_18 = arith.constant 0 : i32
        %dma_start3A_19 = tpu.memref_slice %arg4[%add3A_11, %dma_start3A_18] : memref<49152x256xf32, #tpu.memory_space<hbm>> -> memref<128x256xf32, #tpu.memory_space<hbm>>
        tpu.enqueue_dma source(%arg6 : memref<128x256xf32, #tpu.memory_space<vmem>>) target(%dma_start3A_19 : memref<128x256xf32, #tpu.memory_space<hbm>>) target_semaphore(%run_scoped3A : memref<!tpu.dma_semaphore, #tpu.memory_space<semaphore_mem>>)
        %dma_wait3A_20 = arith.constant 0 : i32
        %dma_wait3A_21 = tpu.memref_slice %arg4[%add3A_11, %dma_wait3A_20] : memref<49152x256xf32, #tpu.memory_space<hbm>> -> memref<128x256xf32, #tpu.memory_space<hbm>>
        %dma_wait3A_22 = arith.constant 0 : i32
        %dma_wait3A_23 = tpu.memref_slice %arg4[%add3A_11, %dma_wait3A_22] : memref<49152x256xf32, #tpu.memory_space<hbm>> -> memref<128x256xf32, #tpu.memory_space<hbm>>
        tpu.wait_dma2 semaphore(%run_scoped3A : memref<!tpu.dma_semaphore, #tpu.memory_space<semaphore_mem>>) src(%arg6 : memref<128x256xf32, #tpu.memory_space<vmem>>) dst(%dma_wait3A_23 : memref<128x256xf32, #tpu.memory_space<hbm>>)
        tpu.yield
      }) : () -> ()
    }
    %scan3A_7 = arith.constant 12 : i32
    return
  }
}

#map = affine_map<(d0, d1) -> (0, 0)>
#map1 = affine_map<(d0, d1) -> (0)>
module attributes {stable_mosaic.version = 14 : i64} {
  func.func @sc_gather(%arg0: i32, %arg1: i32, %arg2: memref<100000x256xf32, #tpu.memory_space<hbm>>, %arg3: memref<49152xi32, #tpu.memory_space<hbm>>, %arg4: memref<49152x256xf32, #tpu.memory_space<hbm>>, %arg5: memref<128xi32, #tpu.memory_space<vmem>>, %arg6: memref<128x256xf32, #tpu.memory_space<vmem>>, %arg7: memref<!tpu.dma_semaphore, #tpu.memory_space<semaphore_mem>>) attributes {dimension_semantics = [#tpu.dimension_semantics<core_parallel>, #tpu.dimension_semantics<subcore_parallel>], iteration_bounds = array<i64: 2, 16>, scalar_prefetch = 0 : i64, scratch_operands = 3 : i64, tpu.core_type = #tpu.core_type<sc_vector_subcore>, window_params = [{transform_indices = #map}, {transform_indices = #map1}, {transform_indices = #map}]} {
    %mul3A = arith.constant 2 : i32
    %mul3A_0 = arith.muli %arg1, %mul3A : i32
    %add3A = arith.addi %mul3A_0, %arg0 : i32
    %mul3A_1 = arith.constant 1536 : i32
    %mul3A_2 = arith.muli %add3A, %mul3A_1 : i32
    %scan3A = arith.constant 0 : i32
    %scan3A_3 = arith.constant 0 : i32
    %scan3A_4 = arith.constant 12 : i32
    %scan3A_5 = arith.addi %scan3A_3, %scan3A_4 : i32
    %scan3A_6 = arith.constant 1 : i32
    scf.for %scan3A_8 = %scan3A_3 to %scan3A_5 step %scan3A_6  : i32 {
      %mul3A_9 = arith.constant 128 : i32
      %mul3A_10 = arith.muli %scan3A_8, %mul3A_9 : i32
      %add3A_11 = arith.addi %mul3A_2, %mul3A_10 : i32
      "tpu.region"() ({
        %run_scoped3A = tpu.sem_alloc : memref<!tpu.dma_semaphore, #tpu.memory_space<semaphore_mem>>
        %dma_start3A_16 = tpu.memref_slice %arg3[%add3A_11] : memref<49152xi32, #tpu.memory_space<hbm>> -> memref<128xi32, #tpu.memory_space<hbm>>
        %dma_start3A_17 = tpu.memref_slice %arg3[%add3A_11] : memref<49152xi32, #tpu.memory_space<hbm>> -> memref<128xi32, #tpu.memory_space<hbm>>
        tpu.enqueue_dma source(%dma_start3A_17 : memref<128xi32, #tpu.memory_space<hbm>>) target(%arg5 : memref<128xi32, #tpu.memory_space<vmem>>) target_semaphore(%run_scoped3A : memref<!tpu.dma_semaphore, #tpu.memory_space<semaphore_mem>>)
        %dma_wait3A_18 = tpu.memref_slice %arg3[%add3A_11] : memref<49152xi32, #tpu.memory_space<hbm>> -> memref<128xi32, #tpu.memory_space<hbm>>
        %dma_wait3A_19 = tpu.memref_slice %arg3[%add3A_11] : memref<49152xi32, #tpu.memory_space<hbm>> -> memref<128xi32, #tpu.memory_space<hbm>>
        tpu.wait_dma2 semaphore(%run_scoped3A : memref<!tpu.dma_semaphore, #tpu.memory_space<semaphore_mem>>) src(%dma_wait3A_19 : memref<128xi32, #tpu.memory_space<hbm>>) dst(%arg5 : memref<128xi32, #tpu.memory_space<vmem>>)
        tpu.yield
      }) : () -> ()
      %dma_start3A = arith.constant 0 : i32
      %dma_start3A_12 = arith.constant 0 : i32
      %dma_start3A_13 = tpu.memref_slice %arg2[%dma_start3A, %dma_start3A_12] : memref<100000x256xf32, #tpu.memory_space<hbm>> -> memref<100000x256xf32, #tpu.memory_space<hbm>>
      tpu.enqueue_indirect_dma source(%dma_start3A_13 : memref<100000x256xf32, #tpu.memory_space<hbm>>) target(%arg6 : memref<128x256xf32, #tpu.memory_space<vmem>>) offsets(%arg5 : memref<128xi32, #tpu.memory_space<vmem>>) semaphore(%arg7 : memref<!tpu.dma_semaphore, #tpu.memory_space<semaphore_mem>>)
      %dma_wait3A = arith.constant 0 : i32
      %dma_wait3A_14 = arith.constant 0 : i32
      %dma_wait3A_15 = tpu.memref_slice %arg2[%dma_wait3A, %dma_wait3A_14] : memref<100000x256xf32, #tpu.memory_space<hbm>> -> memref<100000x256xf32, #tpu.memory_space<hbm>>
      tpu.wait_indirect_dma semaphore(%arg7 : memref<!tpu.dma_semaphore, #tpu.memory_space<semaphore_mem>>) src(%dma_wait3A_15 : memref<100000x256xf32, #tpu.memory_space<hbm>>) dst(%arg6 : memref<128x256xf32, #tpu.memory_space<vmem>>)
      "tpu.region"() ({
        %run_scoped3A = tpu.sem_alloc : memref<!tpu.dma_semaphore, #tpu.memory_space<semaphore_mem>>
        %dma_start3A_16 = arith.constant 0 : i32
        %dma_start3A_17 = tpu.memref_slice %arg4[%add3A_11, %dma_start3A_16] : memref<49152x256xf32, #tpu.memory_space<hbm>> -> memref<128x256xf32, #tpu.memory_space<hbm>>
        %dma_start3A_18 = arith.constant 0 : i32
        %dma_start3A_19 = tpu.memref_slice %arg4[%add3A_11, %dma_start3A_18] : memref<49152x256xf32, #tpu.memory_space<hbm>> -> memref<128x256xf32, #tpu.memory_space<hbm>>
        tpu.enqueue_dma source(%arg6 : memref<128x256xf32, #tpu.memory_space<vmem>>) target(%dma_start3A_19 : memref<128x256xf32, #tpu.memory_space<hbm>>) target_semaphore(%run_scoped3A : memref<!tpu.dma_semaphore, #tpu.memory_space<semaphore_mem>>)
        %dma_wait3A_20 = arith.constant 0 : i32
        %dma_wait3A_21 = tpu.memref_slice %arg4[%add3A_11, %dma_wait3A_20] : memref<49152x256xf32, #tpu.memory_space<hbm>> -> memref<128x256xf32, #tpu.memory_space<hbm>>
        %dma_wait3A_22 = arith.constant 0 : i32
        %dma_wait3A_23 = tpu.memref_slice %arg4[%add3A_11, %dma_wait3A_22] : memref<49152x256xf32, #tpu.memory_space<hbm>> -> memref<128x256xf32, #tpu.memory_space<hbm>>
        tpu.wait_dma2 semaphore(%run_scoped3A : memref<!tpu.dma_semaphore, #tpu.memory_space<semaphore_mem>>) src(%arg6 : memref<128x256xf32, #tpu.memory_space<vmem>>) dst(%dma_wait3A_23 : memref<128x256xf32, #tpu.memory_space<hbm>>)
        tpu.yield
      }) : () -> ()
    }
    %scan3A_7 = arith.constant 12 : i32
    return
  }
}

#map = affine_map<(d0, d1) -> (0, 0)>
#map1 = affine_map<(d0, d1) -> (0)>
module attributes {stable_mosaic.version = 14 : i64} {
  func.func @sc_gather(%arg0: i32, %arg1: i32, %arg2: memref<100000x256xf32, #tpu.memory_space<hbm>>, %arg3: memref<8192xi32, #tpu.memory_space<hbm>>, %arg4: memref<8192x256xf32, #tpu.memory_space<hbm>>, %arg5: memref<128xi32, #tpu.memory_space<vmem>>, %arg6: memref<128x256xf32, #tpu.memory_space<vmem>>, %arg7: memref<!tpu.dma_semaphore, #tpu.memory_space<semaphore_mem>>) attributes {dimension_semantics = [#tpu.dimension_semantics<core_parallel>, #tpu.dimension_semantics<subcore_parallel>], iteration_bounds = array<i64: 2, 16>, scalar_prefetch = 0 : i64, scratch_operands = 3 : i64, tpu.core_type = #tpu.core_type<sc_vector_subcore>, window_params = [{transform_indices = #map}, {transform_indices = #map1}, {transform_indices = #map}]} {
    %mul3A = arith.constant 2 : i32
    %mul3A_0 = arith.muli %arg1, %mul3A : i32
    %add3A = arith.addi %mul3A_0, %arg0 : i32
    %mul3A_1 = arith.constant 256 : i32
    %mul3A_2 = arith.muli %add3A, %mul3A_1 : i32
    %scan3A = arith.constant 0 : i32
    %scan3A_3 = arith.constant 0 : i32
    %scan3A_4 = arith.constant 2 : i32
    %scan3A_5 = arith.addi %scan3A_3, %scan3A_4 : i32
    %scan3A_6 = arith.constant 1 : i32
    scf.for %scan3A_8 = %scan3A_3 to %scan3A_5 step %scan3A_6  : i32 {
      %mul3A_9 = arith.constant 128 : i32
      %mul3A_10 = arith.muli %scan3A_8, %mul3A_9 : i32
      %add3A_11 = arith.addi %mul3A_2, %mul3A_10 : i32
      "tpu.region"() ({
        %run_scoped3A = tpu.sem_alloc : memref<!tpu.dma_semaphore, #tpu.memory_space<semaphore_mem>>
        %dma_start3A_16 = tpu.memref_slice %arg3[%add3A_11] : memref<8192xi32, #tpu.memory_space<hbm>> -> memref<128xi32, #tpu.memory_space<hbm>>
        %dma_start3A_17 = tpu.memref_slice %arg3[%add3A_11] : memref<8192xi32, #tpu.memory_space<hbm>> -> memref<128xi32, #tpu.memory_space<hbm>>
        tpu.enqueue_dma source(%dma_start3A_17 : memref<128xi32, #tpu.memory_space<hbm>>) target(%arg5 : memref<128xi32, #tpu.memory_space<vmem>>) target_semaphore(%run_scoped3A : memref<!tpu.dma_semaphore, #tpu.memory_space<semaphore_mem>>)
        %dma_wait3A_18 = tpu.memref_slice %arg3[%add3A_11] : memref<8192xi32, #tpu.memory_space<hbm>> -> memref<128xi32, #tpu.memory_space<hbm>>
        %dma_wait3A_19 = tpu.memref_slice %arg3[%add3A_11] : memref<8192xi32, #tpu.memory_space<hbm>> -> memref<128xi32, #tpu.memory_space<hbm>>
        tpu.wait_dma2 semaphore(%run_scoped3A : memref<!tpu.dma_semaphore, #tpu.memory_space<semaphore_mem>>) src(%dma_wait3A_19 : memref<128xi32, #tpu.memory_space<hbm>>) dst(%arg5 : memref<128xi32, #tpu.memory_space<vmem>>)
        tpu.yield
      }) : () -> ()
      %dma_start3A = arith.constant 0 : i32
      %dma_start3A_12 = arith.constant 0 : i32
      %dma_start3A_13 = tpu.memref_slice %arg2[%dma_start3A, %dma_start3A_12] : memref<100000x256xf32, #tpu.memory_space<hbm>> -> memref<100000x256xf32, #tpu.memory_space<hbm>>
      tpu.enqueue_indirect_dma source(%dma_start3A_13 : memref<100000x256xf32, #tpu.memory_space<hbm>>) target(%arg6 : memref<128x256xf32, #tpu.memory_space<vmem>>) offsets(%arg5 : memref<128xi32, #tpu.memory_space<vmem>>) semaphore(%arg7 : memref<!tpu.dma_semaphore, #tpu.memory_space<semaphore_mem>>)
      %dma_wait3A = arith.constant 0 : i32
      %dma_wait3A_14 = arith.constant 0 : i32
      %dma_wait3A_15 = tpu.memref_slice %arg2[%dma_wait3A, %dma_wait3A_14] : memref<100000x256xf32, #tpu.memory_space<hbm>> -> memref<100000x256xf32, #tpu.memory_space<hbm>>
      tpu.wait_indirect_dma semaphore(%arg7 : memref<!tpu.dma_semaphore, #tpu.memory_space<semaphore_mem>>) src(%dma_wait3A_15 : memref<100000x256xf32, #tpu.memory_space<hbm>>) dst(%arg6 : memref<128x256xf32, #tpu.memory_space<vmem>>)
      "tpu.region"() ({
        %run_scoped3A = tpu.sem_alloc : memref<!tpu.dma_semaphore, #tpu.memory_space<semaphore_mem>>
        %dma_start3A_16 = arith.constant 0 : i32
        %dma_start3A_17 = tpu.memref_slice %arg4[%add3A_11, %dma_start3A_16] : memref<8192x256xf32, #tpu.memory_space<hbm>> -> memref<128x256xf32, #tpu.memory_space<hbm>>
        %dma_start3A_18 = arith.constant 0 : i32
        %dma_start3A_19 = tpu.memref_slice %arg4[%add3A_11, %dma_start3A_18] : memref<8192x256xf32, #tpu.memory_space<hbm>> -> memref<128x256xf32, #tpu.memory_space<hbm>>
        tpu.enqueue_dma source(%arg6 : memref<128x256xf32, #tpu.memory_space<vmem>>) target(%dma_start3A_19 : memref<128x256xf32, #tpu.memory_space<hbm>>) target_semaphore(%run_scoped3A : memref<!tpu.dma_semaphore, #tpu.memory_space<semaphore_mem>>)
        %dma_wait3A_20 = arith.constant 0 : i32
        %dma_wait3A_21 = tpu.memref_slice %arg4[%add3A_11, %dma_wait3A_20] : memref<8192x256xf32, #tpu.memory_space<hbm>> -> memref<128x256xf32, #tpu.memory_space<hbm>>
        %dma_wait3A_22 = arith.constant 0 : i32
        %dma_wait3A_23 = tpu.memref_slice %arg4[%add3A_11, %dma_wait3A_22] : memref<8192x256xf32, #tpu.memory_space<hbm>> -> memref<128x256xf32, #tpu.memory_space<hbm>>
        tpu.wait_dma2 semaphore(%run_scoped3A : memref<!tpu.dma_semaphore, #tpu.memory_space<semaphore_mem>>) src(%arg6 : memref<128x256xf32, #tpu.memory_space<vmem>>) dst(%dma_wait3A_23 : memref<128x256xf32, #tpu.memory_space<hbm>>)
        tpu.yield
      }) : () -> ()
    }
    %scan3A_7 = arith.constant 2 : i32
    return
  }
}

#map = affine_map<(d0, d1) -> (0, 0)>
#map1 = affine_map<(d0, d1) -> (0)>
module attributes {stable_mosaic.version = 14 : i64} {
  func.func @sc_gather(%arg0: i32, %arg1: i32, %arg2: memref<100000x256xf32, #tpu.memory_space<hbm>>, %arg3: memref<49152xi32, #tpu.memory_space<hbm>>, %arg4: memref<49152x256xf32, #tpu.memory_space<hbm>>, %arg5: memref<128xi32, #tpu.memory_space<vmem>>, %arg6: memref<128x256xf32, #tpu.memory_space<vmem>>, %arg7: memref<!tpu.dma_semaphore, #tpu.memory_space<semaphore_mem>>) attributes {dimension_semantics = [#tpu.dimension_semantics<core_parallel>, #tpu.dimension_semantics<subcore_parallel>], iteration_bounds = array<i64: 2, 16>, scalar_prefetch = 0 : i64, scratch_operands = 3 : i64, tpu.core_type = #tpu.core_type<sc_vector_subcore>, window_params = [{transform_indices = #map}, {transform_indices = #map1}, {transform_indices = #map}]} {
    %mul3A = arith.constant 2 : i32
    %mul3A_0 = arith.muli %arg1, %mul3A : i32
    %add3A = arith.addi %mul3A_0, %arg0 : i32
    %mul3A_1 = arith.constant 1536 : i32
    %mul3A_2 = arith.muli %add3A, %mul3A_1 : i32
    %scan3A = arith.constant 0 : i32
    %scan3A_3 = arith.constant 0 : i32
    %scan3A_4 = arith.constant 12 : i32
    %scan3A_5 = arith.addi %scan3A_3, %scan3A_4 : i32
    %scan3A_6 = arith.constant 1 : i32
    scf.for %scan3A_8 = %scan3A_3 to %scan3A_5 step %scan3A_6  : i32 {
      %mul3A_9 = arith.constant 128 : i32
      %mul3A_10 = arith.muli %scan3A_8, %mul3A_9 : i32
      %add3A_11 = arith.addi %mul3A_2, %mul3A_10 : i32
      "tpu.region"() ({
        %run_scoped3A = tpu.sem_alloc : memref<!tpu.dma_semaphore, #tpu.memory_space<semaphore_mem>>
        %dma_start3A_16 = tpu.memref_slice %arg3[%add3A_11] : memref<49152xi32, #tpu.memory_space<hbm>> -> memref<128xi32, #tpu.memory_space<hbm>>
        %dma_start3A_17 = tpu.memref_slice %arg3[%add3A_11] : memref<49152xi32, #tpu.memory_space<hbm>> -> memref<128xi32, #tpu.memory_space<hbm>>
        tpu.enqueue_dma source(%dma_start3A_17 : memref<128xi32, #tpu.memory_space<hbm>>) target(%arg5 : memref<128xi32, #tpu.memory_space<vmem>>) target_semaphore(%run_scoped3A : memref<!tpu.dma_semaphore, #tpu.memory_space<semaphore_mem>>)
        %dma_wait3A_18 = tpu.memref_slice %arg3[%add3A_11] : memref<49152xi32, #tpu.memory_space<hbm>> -> memref<128xi32, #tpu.memory_space<hbm>>
        %dma_wait3A_19 = tpu.memref_slice %arg3[%add3A_11] : memref<49152xi32, #tpu.memory_space<hbm>> -> memref<128xi32, #tpu.memory_space<hbm>>
        tpu.wait_dma2 semaphore(%run_scoped3A : memref<!tpu.dma_semaphore, #tpu.memory_space<semaphore_mem>>) src(%dma_wait3A_19 : memref<128xi32, #tpu.memory_space<hbm>>) dst(%arg5 : memref<128xi32, #tpu.memory_space<vmem>>)
        tpu.yield
      }) : () -> ()
      %dma_start3A = arith.constant 0 : i32
      %dma_start3A_12 = arith.constant 0 : i32
      %dma_start3A_13 = tpu.memref_slice %arg2[%dma_start3A, %dma_start3A_12] : memref<100000x256xf32, #tpu.memory_space<hbm>> -> memref<100000x256xf32, #tpu.memory_space<hbm>>
      tpu.enqueue_indirect_dma source(%dma_start3A_13 : memref<100000x256xf32, #tpu.memory_space<hbm>>) target(%arg6 : memref<128x256xf32, #tpu.memory_space<vmem>>) offsets(%arg5 : memref<128xi32, #tpu.memory_space<vmem>>) semaphore(%arg7 : memref<!tpu.dma_semaphore, #tpu.memory_space<semaphore_mem>>)
      %dma_wait3A = arith.constant 0 : i32
      %dma_wait3A_14 = arith.constant 0 : i32
      %dma_wait3A_15 = tpu.memref_slice %arg2[%dma_wait3A, %dma_wait3A_14] : memref<100000x256xf32, #tpu.memory_space<hbm>> -> memref<100000x256xf32, #tpu.memory_space<hbm>>
      tpu.wait_indirect_dma semaphore(%arg7 : memref<!tpu.dma_semaphore, #tpu.memory_space<semaphore_mem>>) src(%dma_wait3A_15 : memref<100000x256xf32, #tpu.memory_space<hbm>>) dst(%arg6 : memref<128x256xf32, #tpu.memory_space<vmem>>)
      "tpu.region"() ({
        %run_scoped3A = tpu.sem_alloc : memref<!tpu.dma_semaphore, #tpu.memory_space<semaphore_mem>>
        %dma_start3A_16 = arith.constant 0 : i32
        %dma_start3A_17 = tpu.memref_slice %arg4[%add3A_11, %dma_start3A_16] : memref<49152x256xf32, #tpu.memory_space<hbm>> -> memref<128x256xf32, #tpu.memory_space<hbm>>
        %dma_start3A_18 = arith.constant 0 : i32
        %dma_start3A_19 = tpu.memref_slice %arg4[%add3A_11, %dma_start3A_18] : memref<49152x256xf32, #tpu.memory_space<hbm>> -> memref<128x256xf32, #tpu.memory_space<hbm>>
        tpu.enqueue_dma source(%arg6 : memref<128x256xf32, #tpu.memory_space<vmem>>) target(%dma_start3A_19 : memref<128x256xf32, #tpu.memory_space<hbm>>) target_semaphore(%run_scoped3A : memref<!tpu.dma_semaphore, #tpu.memory_space<semaphore_mem>>)
        %dma_wait3A_20 = arith.constant 0 : i32
        %dma_wait3A_21 = tpu.memref_slice %arg4[%add3A_11, %dma_wait3A_20] : memref<49152x256xf32, #tpu.memory_space<hbm>> -> memref<128x256xf32, #tpu.memory_space<hbm>>
        %dma_wait3A_22 = arith.constant 0 : i32
        %dma_wait3A_23 = tpu.memref_slice %arg4[%add3A_11, %dma_wait3A_22] : memref<49152x256xf32, #tpu.memory_space<hbm>> -> memref<128x256xf32, #tpu.memory_space<hbm>>
        tpu.wait_dma2 semaphore(%run_scoped3A : memref<!tpu.dma_semaphore, #tpu.memory_space<semaphore_mem>>) src(%arg6 : memref<128x256xf32, #tpu.memory_space<vmem>>) dst(%dma_wait3A_23 : memref<128x256xf32, #tpu.memory_space<hbm>>)
        tpu.yield
      }) : () -> ()
    }
    %scan3A_7 = arith.constant 12 : i32
    return
  }
}

module attributes {stable_mosaic.version = 14 : i64} {
  func.func @_tp_body(%arg0: i32, %arg1: memref<300x2048xf32, #tpu.memory_space<vmem>>, %arg2: memref<2048x256xf32, #tpu.memory_space<vmem>>) attributes {dimension_semantics = [#tpu.dimension_semantics<arbitrary>], iteration_bounds = array<i64: 49>, scalar_prefetch = 0 : i64, scratch_operands = 0 : i64, tpu.core_type = #tpu.core_type<tc>, window_params = [{transform_indices = @transform_0, window_bounds = array<i64: 300, 2048>}, {transform_indices = @transform_1, window_bounds = array<i64: 2048, 256>}]} {
    %get3A = arith.constant 0 : index
    %get3A_0 = arith.constant 0 : index
    %get3A_1 = vector.load %arg1[%get3A, %get3A_0] : memref<300x2048xf32, #tpu.memory_space<vmem>>, vector<300x2048xf32>
    %transpose3A = tpu.transpose %get3A_1, [1, 0] : vector<300x2048xf32> -> vector<2048x300xf32>
    %slice3A = vector.extract_strided_slice %transpose3A {offsets = [0, 0], sizes = [2048, 256], strides = [1, 1]} : vector<2048x300xf32> to vector<2048x256xf32>
    %convert_element_type3A = arith.truncf %slice3A : vector<2048x256xf32> to vector<2048x256xbf16>
    %convert_element_type3A_2 = arith.extf %convert_element_type3A : vector<2048x256xbf16> to vector<2048x256xf32>
    %slice3A_3 = vector.extract_strided_slice %transpose3A {offsets = [0, 256], sizes = [2048, 44], strides = [1, 1]} : vector<2048x300xf32> to vector<2048x44xf32>
    %broadcast_in_dim3A = arith.constant 0.000000e+00 : f32
    %broadcast_in_dim3A_4 = vector.broadcast %broadcast_in_dim3A : f32 to vector<2048x212xf32>
    %concatenate3A = tpu.concatenate %slice3A_3, %broadcast_in_dim3A_4 in 1 : vector<2048x44xf32>, vector<2048x212xf32> -> vector<2048x256xf32>
    %convert_element_type3A_5 = arith.truncf %concatenate3A : vector<2048x256xf32> to vector<2048x256xbf16>
    %convert_element_type3A_6 = arith.extf %convert_element_type3A_5 : vector<2048x256xbf16> to vector<2048x256xf32>
    %bitcast_convert_type3A = tpu.bitcast %convert_element_type3A_2 : vector<2048x256xf32> -> vector<2048x256xi32>
    %bitcast_convert_type3A_7 = tpu.bitcast %convert_element_type3A_6 : vector<2048x256xf32> -> vector<2048x256xi32>
    %and3A = arith.constant -65536 : i32
    %and3A_8 = vector.broadcast %and3A : i32 to vector<2048x256xi32>
    %and3A_9 = arith.andi %bitcast_convert_type3A_7, %and3A_8 : vector<2048x256xi32>
    %shift_right_logical3A = arith.constant 16 : i32
    %shift_right_logical3A_10 = vector.broadcast %shift_right_logical3A : i32 to vector<2048x256xi32>
    %shift_right_logical3A_11 = arith.shrui %bitcast_convert_type3A, %shift_right_logical3A_10 : vector<2048x256xi32>
    %or3A = arith.ori %and3A_9, %shift_right_logical3A_11 : vector<2048x256xi32>
    %bitcast_convert_type3A_12 = tpu.bitcast %or3A : vector<2048x256xi32> -> vector<2048x256xf32>
    %swap3A = arith.constant 0 : index
    %swap3A_13 = arith.constant 0 : index
    %swap3A_14 = vector.load %arg2[%swap3A, %swap3A_13] : memref<2048x256xf32, #tpu.memory_space<vmem>>, vector<2048x256xf32>
    tpu.vector_store %arg2[%swap3A, %swap3A_13], %bitcast_convert_type3A_12 {strides = array<i32>} : memref<2048x256xf32, #tpu.memory_space<vmem>>, vector<2048x256xf32>,
    return
  }
  func.func @transform_0(%arg0: i32) -> (i32, i32) {
    %c0_i32 = arith.constant 0 : i32
    %c0_i32_0 = arith.constant 0 : i32
    return %c0_i32, %arg0 : i32, i32
  }
  func.func @transform_1(%arg0: i32) -> (i32, i32) {
    %c0_i32 = arith.constant 0 : i32
    %c0_i32_0 = arith.constant 0 : i32
    return %arg0, %c0_i32 : i32, i32
  }
}

module attributes {stable_mosaic.version = 14 : i64} {
  func.func @_tc_body(%arg0: i32, %arg1: memref<1024x256xf32, #tpu.memory_space<vmem>>, %arg2: memref<512x768xbf16, #tpu.memory_space<vmem>>, %arg3: memref<1x768xf32, #tpu.memory_space<vmem>>, %arg4: memref<1x768xf32, #tpu.memory_space<vmem>>, %arg5: memref<1x768xf32, #tpu.memory_space<vmem>>, %arg6: memref<1024x768xf32, #tpu.memory_space<vmem>>) attributes {dimension_semantics = [#tpu.dimension_semantics<arbitrary>], iteration_bounds = array<i64: 8>, scalar_prefetch = 0 : i64, scratch_operands = 0 : i64, tpu.core_type = #tpu.core_type<tc>, window_params = [{transform_indices = @transform_0, window_bounds = array<i64: 1024, 256>}, {pipeline_mode = #tpu.pipeline_mode<synchronous>, transform_indices = @transform_1, window_bounds = array<i64: 512, 768>}, {pipeline_mode = #tpu.pipeline_mode<synchronous>, transform_indices = @transform_2, window_bounds = array<i64: 1, 768>}, {pipeline_mode = #tpu.pipeline_mode<synchronous>, transform_indices = @transform_3, window_bounds = array<i64: 1, 768>}, {pipeline_mode = #tpu.pipeline_mode<synchronous>, transform_indices = @transform_4, window_bounds = array<i64: 1, 768>}, {transform_indices = @transform_5, window_bounds = array<i64: 1024, 768>}]} {
    %get3A = arith.constant 0 : index
    %get3A_0 = arith.constant 0 : index
    %get3A_1 = vector.load %arg1[%get3A, %get3A_0] : memref<1024x256xf32, #tpu.memory_space<vmem>>, vector<1024x256xf32>
    %bitcast_convert_type3A = tpu.bitcast %get3A_1 : vector<1024x256xf32> -> vector<1024x256xi32>
    %shift_left3A = arith.constant 16 : i32
    %shift_left3A_2 = vector.broadcast %shift_left3A : i32 to vector<1024x256xi32>
    %shift_left3A_3 = arith.shli %bitcast_convert_type3A, %shift_left3A_2 : vector<1024x256xi32>
    %bitcast_convert_type3A_4 = tpu.bitcast %shift_left3A_3 : vector<1024x256xi32> -> vector<1024x256xf32>
    %and3A = arith.constant -65536 : i32
    %and3A_5 = vector.broadcast %and3A : i32 to vector<1024x256xi32>
    %and3A_6 = arith.andi %bitcast_convert_type3A, %and3A_5 : vector<1024x256xi32>
    %bitcast_convert_type3A_7 = tpu.bitcast %and3A_6 : vector<1024x256xi32> -> vector<1024x256xf32>
    %reduce_sum3A = arith.constant dense<0.000000e+00> : vector<1024xf32>
    %reduce_sum3A_8 = vector.multi_reduction <add>, %bitcast_convert_type3A_4, %reduce_sum3A [1] : vector<1024x256xf32> to vector<1024xf32>
    %broadcast_in_dim3A = vector.shape_cast %reduce_sum3A_8 : vector<1024xf32> to vector<1024x1xf32>
    %reduce_sum3A_9 = arith.constant dense<0.000000e+00> : vector<1024xf32>
    %reduce_sum3A_10 = vector.multi_reduction <add>, %bitcast_convert_type3A_7, %reduce_sum3A_9 [1] : vector<1024x256xf32> to vector<1024xf32>
    %broadcast_in_dim3A_11 = vector.shape_cast %reduce_sum3A_10 : vector<1024xf32> to vector<1024x1xf32>
    %add3A = arith.addf %broadcast_in_dim3A, %broadcast_in_dim3A_11 : vector<1024x1xf32>
    %mul3A = arith.mulf %bitcast_convert_type3A_4, %bitcast_convert_type3A_4 : vector<1024x256xf32>
    %reduce_sum3A_12 = arith.constant dense<0.000000e+00> : vector<1024xf32>
    %reduce_sum3A_13 = vector.multi_reduction <add>, %mul3A, %reduce_sum3A_12 [1] : vector<1024x256xf32> to vector<1024xf32>
    %broadcast_in_dim3A_14 = vector.shape_cast %reduce_sum3A_13 : vector<1024xf32> to vector<1024x1xf32>
    %mul3A_15 = arith.mulf %bitcast_convert_type3A_7, %bitcast_convert_type3A_7 : vector<1024x256xf32>
    %reduce_sum3A_16 = arith.constant dense<0.000000e+00> : vector<1024xf32>
    %reduce_sum3A_17 = vector.multi_reduction <add>, %mul3A_15, %reduce_sum3A_16 [1] : vector<1024x256xf32> to vector<1024xf32>
    %broadcast_in_dim3A_18 = vector.shape_cast %reduce_sum3A_17 : vector<1024xf32> to vector<1024x1xf32>
    %add3A_19 = arith.addf %broadcast_in_dim3A_14, %broadcast_in_dim3A_18 : vector<1024x1xf32>
    %mul3A_20 = arith.constant 0.00333333341 : f32
    %mul3A_21 = vector.broadcast %mul3A_20 : f32 to vector<1024x1xf32>
    %mul3A_22 = arith.mulf %add3A, %mul3A_21 : vector<1024x1xf32>
    %mul3A_23 = arith.constant 0.00333333341 : f32
    %mul3A_24 = vector.broadcast %mul3A_23 : f32 to vector<1024x1xf32>
    %mul3A_25 = arith.mulf %add3A_19, %mul3A_24 : vector<1024x1xf32>
    %mul3A_26 = arith.mulf %mul3A_22, %mul3A_22 : vector<1024x1xf32>
    %sub3A = arith.subf %mul3A_25, %mul3A_26 : vector<1024x1xf32>
    %add3A_27 = arith.constant 9.99999996E-13 : f32
    %add3A_28 = vector.broadcast %add3A_27 : f32 to vector<1024x1xf32>
    %add3A_29 = arith.addf %sub3A, %add3A_28 : vector<1024x1xf32>
    %rsqrt3A = math.rsqrt %add3A_29 : vector<1024x1xf32>
    %sub3A_30 = vector.broadcast %mul3A_22 : vector<1024x1xf32> to vector<1024x256xf32>
    %sub3A_31 = arith.subf %bitcast_convert_type3A_4, %sub3A_30 : vector<1024x256xf32>
    %mul3A_32 = vector.broadcast %rsqrt3A : vector<1024x1xf32> to vector<1024x256xf32>
    %mul3A_33 = arith.mulf %sub3A_31, %mul3A_32 : vector<1024x256xf32>
    %convert_element_type3A = arith.truncf %mul3A_33 : vector<1024x256xf32> to vector<1024x256xbf16>
    %sub3A_34 = vector.broadcast %mul3A_22 : vector<1024x1xf32> to vector<1024x256xf32>
    %sub3A_35 = arith.subf %bitcast_convert_type3A_7, %sub3A_34 : vector<1024x256xf32>
    %mul3A_36 = vector.broadcast %rsqrt3A : vector<1024x1xf32> to vector<1024x256xf32>
    %mul3A_37 = arith.mulf %sub3A_35, %mul3A_36 : vector<1024x256xf32>
    %convert_element_type3A_38 = arith.truncf %mul3A_37 : vector<1024x256xf32> to vector<1024x256xbf16>
    %get3A_39 = arith.constant 0 : index
    %get3A_40 = arith.constant 0 : index
    %get3A_41 = vector.load %arg2[%get3A_39, %get3A_40] : memref<512x768xbf16, #tpu.memory_space<vmem>>, vector<256x768xbf16>
    %dot_general3A = arith.constant dense<0.000000e+00> : vector<1024x768xf32>
    %dot_general3A_42 = tpu.matmul %convert_element_type3A, %get3A_41, %dot_general3A {dimension_numbers = #tpu.dot_dimension_numbers<[1], [0], [0], [1], [0, 0, 1, 1], [], []>, transpose_lhs_hint = false} : vector<1024x256xbf16>, vector<256x768xbf16>, vector<1024x768xf32> -> vector<1024x768xf32>
    %get3A_43 = arith.constant 256 : index
    %get3A_44 = arith.constant 0 : index
    %get3A_45 = vector.load %arg2[%get3A_43, %get3A_44] : memref<512x768xbf16, #tpu.memory_space<vmem>>, vector<256x768xbf16>
    %dot_general3A_46 = arith.constant dense<0.000000e+00> : vector<1024x768xf32>
    %dot_general3A_47 = tpu.matmul %convert_element_type3A_38, %get3A_45, %dot_general3A_46 {dimension_numbers = #tpu.dot_dimension_numbers<[1], [0], [0], [1], [0, 0, 1, 1], [], []>, transpose_lhs_hint = false} : vector<1024x256xbf16>, vector<256x768xbf16>, vector<1024x768xf32> -> vector<1024x768xf32>
    %add3A_48 = arith.addf %dot_general3A_42, %dot_general3A_47 : vector<1024x768xf32>
    %get3A_49 = arith.constant 0 : index
    %get3A_50 = arith.constant 0 : index
    %get3A_51 = vector.load %arg3[%get3A_49, %get3A_50] : memref<1x768xf32, #tpu.memory_space<vmem>>, vector<1x768xf32>
    %add3A_52 = vector.broadcast %get3A_51 : vector<1x768xf32> to vector<1024x768xf32>
    %add3A_53 = arith.addf %add3A_48, %add3A_52 : vector<1024x768xf32>
    %max3A = arith.constant 0.000000e+00 : f32
    %max3A_54 = vector.broadcast %max3A : f32 to vector<1024x768xf32>
    %max3A_55 = arith.maximumf %add3A_53, %max3A_54 : vector<1024x768xf32>
    %reduce_sum3A_56 = arith.constant dense<0.000000e+00> : vector<1024xf32>
    %reduce_sum3A_57 = vector.multi_reduction <add>, %max3A_55, %reduce_sum3A_56 [1] : vector<1024x768xf32> to vector<1024xf32>
    %broadcast_in_dim3A_58 = vector.shape_cast %reduce_sum3A_57 : vector<1024xf32> to vector<1024x1xf32>
    %div3A = arith.constant 7.680000e+02 : f32
    %div3A_59 = vector.broadcast %div3A : f32 to vector<1024x1xf32>
    %div3A_60 = arith.divf %broadcast_in_dim3A_58, %div3A_59 : vector<1024x1xf32>
    %sub3A_61 = vector.broadcast %div3A_60 : vector<1024x1xf32> to vector<1024x768xf32>
    %sub3A_62 = arith.subf %max3A_55, %sub3A_61 : vector<1024x768xf32>
    %integer_pow3A = arith.mulf %sub3A_62, %sub3A_62 : vector<1024x768xf32>
    %reduce_sum3A_63 = arith.constant dense<0.000000e+00> : vector<1024xf32>
    %reduce_sum3A_64 = vector.multi_reduction <add>, %integer_pow3A, %reduce_sum3A_63 [1] : vector<1024x768xf32> to vector<1024xf32>
    %broadcast_in_dim3A_65 = vector.shape_cast %reduce_sum3A_64 : vector<1024xf32> to vector<1024x1xf32>
    %div3A_66 = arith.constant 7.680000e+02 : f32
    %div3A_67 = vector.broadcast %div3A_66 : f32 to vector<1024x1xf32>
    %div3A_68 = arith.divf %broadcast_in_dim3A_65, %div3A_67 : vector<1024x1xf32>
    %sub3A_69 = vector.broadcast %div3A_60 : vector<1024x1xf32> to vector<1024x768xf32>
    %sub3A_70 = arith.subf %max3A_55, %sub3A_69 : vector<1024x768xf32>
    %add3A_71 = arith.constant 9.99999996E-13 : f32
    %add3A_72 = vector.broadcast %add3A_71 : f32 to vector<1024x1xf32>
    %add3A_73 = arith.addf %div3A_68, %add3A_72 : vector<1024x1xf32>
    %rsqrt3A_74 = math.rsqrt %add3A_73 : vector<1024x1xf32>
    %mul3A_75 = vector.broadcast %rsqrt3A_74 : vector<1024x1xf32> to vector<1024x768xf32>
    %mul3A_76 = arith.mulf %sub3A_70, %mul3A_75 : vector<1024x768xf32>
    %get3A_77 = arith.constant 0 : index
    %get3A_78 = arith.constant 0 : index
    %get3A_79 = vector.load %arg4[%get3A_77, %get3A_78] : memref<1x768xf32, #tpu.memory_space<vmem>>, vector<1x768xf32>
    %mul3A_80 = vector.broadcast %get3A_79 : vector<1x768xf32> to vector<1024x768xf32>
    %mul3A_81 = arith.mulf %mul3A_76, %mul3A_80 : vector<1024x768xf32>
    %get3A_82 = arith.constant 0 : index
    %get3A_83 = arith.constant 0 : index
    %get3A_84 = vector.load %arg5[%get3A_82, %get3A_83] : memref<1x768xf32, #tpu.memory_space<vmem>>, vector<1x768xf32>
    %add3A_85 = vector.broadcast %get3A_84 : vector<1x768xf32> to vector<1024x768xf32>
    %add3A_86 = arith.addf %mul3A_81, %add3A_85 : vector<1024x768xf32>
    %swap3A = arith.constant 0 : index
    %swap3A_87 = arith.constant 0 : index
    %swap3A_88 = vector.load %arg6[%swap3A, %swap3A_87] : memref<1024x768xf32, #tpu.memory_space<vmem>>, vector<1024x768xf32>
    tpu.vector_store %arg6[%swap3A, %swap3A_87], %add3A_86 {strides = array<i32>} : memref<1024x768xf32, #tpu.memory_space<vmem>>, vector<1024x768xf32>,
    return
  }
  func.func @transform_0(%arg0: i32) -> (i32, i32) {
    %c0_i32 = arith.constant 0 : i32
    %c0_i32_0 = arith.constant 0 : i32
    return %arg0, %c0_i32 : i32, i32
  }
  func.func @transform_1(%arg0: i32) -> (i32, i32) {
    %c0_i32 = arith.constant 0 : i32
    %c0_i32_0 = arith.constant 0 : i32
    %c0_i32_1 = arith.constant 0 : i32
    return %c0_i32, %c0_i32_0 : i32, i32
  }
  func.func @transform_2(%arg0: i32) -> (i32, i32) {
    %c0_i32 = arith.constant 0 : i32
    %c0_i32_0 = arith.constant 0 : i32
    %c0_i32_1 = arith.constant 0 : i32
    return %c0_i32, %c0_i32_0 : i32, i32
  }
  func.func @transform_3(%arg0: i32) -> (i32, i32) {
    %c0_i32 = arith.constant 0 : i32
    %c0_i32_0 = arith.constant 0 : i32
    %c0_i32_1 = arith.constant 0 : i32
    return %c0_i32, %c0_i32_0 : i32, i32
  }
  func.func @transform_4(%arg0: i32) -> (i32, i32) {
    %c0_i32 = arith.constant 0 : i32
    %c0_i32_0 = arith.constant 0 : i32
    %c0_i32_1 = arith.constant 0 : i32
    return %c0_i32, %c0_i32_0 : i32, i32
  }
  func.func @transform_5(%arg0: i32) -> (i32, i32) {
    %add3A = arith.constant 0 : i32
    %add3A_0 = arith.addi %add3A, %arg0 : i32
    %c0_i32 = arith.constant 0 : i32
    %c0_i32_1 = arith.constant 0 : i32
    return %add3A_0, %c0_i32 : i32, i32
  }
}

module attributes {stable_mosaic.version = 14 : i64} {
  func.func @_acc_body(%arg0: i32, %arg1: memref<204800x768xf32, #tpu.memory_space<any>>, %arg2: memref<1024x256xf32, #tpu.memory_space<vmem>>, %arg3: memref<512x768xbf16, #tpu.memory_space<vmem>>, %arg4: memref<1x768xf32, #tpu.memory_space<vmem>>, %arg5: memref<1x768xf32, #tpu.memory_space<vmem>>, %arg6: memref<1x768xf32, #tpu.memory_space<vmem>>, %arg7: memref<1024x768xf32, #tpu.memory_space<vmem>>) attributes {dimension_semantics = [#tpu.dimension_semantics<arbitrary>], iteration_bounds = array<i64: 48>, scalar_prefetch = 0 : i64, scratch_operands = 0 : i64, tpu.core_type = #tpu.core_type<tc>, window_params = [{}, {transform_indices = @transform_1, window_bounds = array<i64: 1024, 256>}, {pipeline_mode = #tpu.pipeline_mode<synchronous>, transform_indices = @transform_2, window_bounds = array<i64: 512, 768>}, {pipeline_mode = #tpu.pipeline_mode<synchronous>, transform_indices = @transform_3, window_bounds = array<i64: 1, 768>}, {pipeline_mode = #tpu.pipeline_mode<synchronous>, transform_indices = @transform_4, window_bounds = array<i64: 1, 768>}, {pipeline_mode = #tpu.pipeline_mode<synchronous>, transform_indices = @transform_5, window_bounds = array<i64: 1, 768>}, {transform_indices = @transform_6, window_bounds = array<i64: 1024, 768>}]} {
    %get3A = arith.constant 0 : index
    %get3A_0 = arith.constant 0 : index
    %get3A_1 = vector.load %arg2[%get3A, %get3A_0] : memref<1024x256xf32, #tpu.memory_space<vmem>>, vector<1024x256xf32>
    %bitcast_convert_type3A = tpu.bitcast %get3A_1 : vector<1024x256xf32> -> vector<1024x256xi32>
    %shift_left3A = arith.constant 16 : i32
    %shift_left3A_2 = vector.broadcast %shift_left3A : i32 to vector<1024x256xi32>
    %shift_left3A_3 = arith.shli %bitcast_convert_type3A, %shift_left3A_2 : vector<1024x256xi32>
    %bitcast_convert_type3A_4 = tpu.bitcast %shift_left3A_3 : vector<1024x256xi32> -> vector<1024x256xf32>
    %and3A = arith.constant -65536 : i32
    %and3A_5 = vector.broadcast %and3A : i32 to vector<1024x256xi32>
    %and3A_6 = arith.andi %bitcast_convert_type3A, %and3A_5 : vector<1024x256xi32>
    %bitcast_convert_type3A_7 = tpu.bitcast %and3A_6 : vector<1024x256xi32> -> vector<1024x256xf32>
    %reduce_sum3A = arith.constant dense<0.000000e+00> : vector<1024xf32>
    %reduce_sum3A_8 = vector.multi_reduction <add>, %bitcast_convert_type3A_4, %reduce_sum3A [1] : vector<1024x256xf32> to vector<1024xf32>
    %broadcast_in_dim3A = vector.shape_cast %reduce_sum3A_8 : vector<1024xf32> to vector<1024x1xf32>
    %reduce_sum3A_9 = arith.constant dense<0.000000e+00> : vector<1024xf32>
    %reduce_sum3A_10 = vector.multi_reduction <add>, %bitcast_convert_type3A_7, %reduce_sum3A_9 [1] : vector<1024x256xf32> to vector<1024xf32>
    %broadcast_in_dim3A_11 = vector.shape_cast %reduce_sum3A_10 : vector<1024xf32> to vector<1024x1xf32>
    %add3A = arith.addf %broadcast_in_dim3A, %broadcast_in_dim3A_11 : vector<1024x1xf32>
    %mul3A = arith.mulf %bitcast_convert_type3A_4, %bitcast_convert_type3A_4 : vector<1024x256xf32>
    %reduce_sum3A_12 = arith.constant dense<0.000000e+00> : vector<1024xf32>
    %reduce_sum3A_13 = vector.multi_reduction <add>, %mul3A, %reduce_sum3A_12 [1] : vector<1024x256xf32> to vector<1024xf32>
    %broadcast_in_dim3A_14 = vector.shape_cast %reduce_sum3A_13 : vector<1024xf32> to vector<1024x1xf32>
    %mul3A_15 = arith.mulf %bitcast_convert_type3A_7, %bitcast_convert_type3A_7 : vector<1024x256xf32>
    %reduce_sum3A_16 = arith.constant dense<0.000000e+00> : vector<1024xf32>
    %reduce_sum3A_17 = vector.multi_reduction <add>, %mul3A_15, %reduce_sum3A_16 [1] : vector<1024x256xf32> to vector<1024xf32>
    %broadcast_in_dim3A_18 = vector.shape_cast %reduce_sum3A_17 : vector<1024xf32> to vector<1024x1xf32>
    %add3A_19 = arith.addf %broadcast_in_dim3A_14, %broadcast_in_dim3A_18 : vector<1024x1xf32>
    %mul3A_20 = arith.constant 0.00333333341 : f32
    %mul3A_21 = vector.broadcast %mul3A_20 : f32 to vector<1024x1xf32>
    %mul3A_22 = arith.mulf %add3A, %mul3A_21 : vector<1024x1xf32>
    %mul3A_23 = arith.constant 0.00333333341 : f32
    %mul3A_24 = vector.broadcast %mul3A_23 : f32 to vector<1024x1xf32>
    %mul3A_25 = arith.mulf %add3A_19, %mul3A_24 : vector<1024x1xf32>
    %mul3A_26 = arith.mulf %mul3A_22, %mul3A_22 : vector<1024x1xf32>
    %sub3A = arith.subf %mul3A_25, %mul3A_26 : vector<1024x1xf32>
    %add3A_27 = arith.constant 9.99999996E-13 : f32
    %add3A_28 = vector.broadcast %add3A_27 : f32 to vector<1024x1xf32>
    %add3A_29 = arith.addf %sub3A, %add3A_28 : vector<1024x1xf32>
    %rsqrt3A = math.rsqrt %add3A_29 : vector<1024x1xf32>
    %sub3A_30 = vector.broadcast %mul3A_22 : vector<1024x1xf32> to vector<1024x256xf32>
    %sub3A_31 = arith.subf %bitcast_convert_type3A_4, %sub3A_30 : vector<1024x256xf32>
    %mul3A_32 = vector.broadcast %rsqrt3A : vector<1024x1xf32> to vector<1024x256xf32>
    %mul3A_33 = arith.mulf %sub3A_31, %mul3A_32 : vector<1024x256xf32>
    %convert_element_type3A = arith.truncf %mul3A_33 : vector<1024x256xf32> to vector<1024x256xbf16>
    %sub3A_34 = vector.broadcast %mul3A_22 : vector<1024x1xf32> to vector<1024x256xf32>
    %sub3A_35 = arith.subf %bitcast_convert_type3A_7, %sub3A_34 : vector<1024x256xf32>
    %mul3A_36 = vector.broadcast %rsqrt3A : vector<1024x1xf32> to vector<1024x256xf32>
    %mul3A_37 = arith.mulf %sub3A_35, %mul3A_36 : vector<1024x256xf32>
    %convert_element_type3A_38 = arith.truncf %mul3A_37 : vector<1024x256xf32> to vector<1024x256xbf16>
    %get3A_39 = arith.constant 0 : index
    %get3A_40 = arith.constant 0 : index
    %get3A_41 = vector.load %arg3[%get3A_39, %get3A_40] : memref<512x768xbf16, #tpu.memory_space<vmem>>, vector<256x768xbf16>
    %dot_general3A = arith.constant dense<0.000000e+00> : vector<1024x768xf32>
    %dot_general3A_42 = tpu.matmul %convert_element_type3A, %get3A_41, %dot_general3A {dimension_numbers = #tpu.dot_dimension_numbers<[1], [0], [0], [1], [0, 0, 1, 1], [], []>, transpose_lhs_hint = false} : vector<1024x256xbf16>, vector<256x768xbf16>, vector<1024x768xf32> -> vector<1024x768xf32>
    %get3A_43 = arith.constant 256 : index
    %get3A_44 = arith.constant 0 : index
    %get3A_45 = vector.load %arg3[%get3A_43, %get3A_44] : memref<512x768xbf16, #tpu.memory_space<vmem>>, vector<256x768xbf16>
    %dot_general3A_46 = arith.constant dense<0.000000e+00> : vector<1024x768xf32>
    %dot_general3A_47 = tpu.matmul %convert_element_type3A_38, %get3A_45, %dot_general3A_46 {dimension_numbers = #tpu.dot_dimension_numbers<[1], [0], [0], [1], [0, 0, 1, 1], [], []>, transpose_lhs_hint = false} : vector<1024x256xbf16>, vector<256x768xbf16>, vector<1024x768xf32> -> vector<1024x768xf32>
    %add3A_48 = arith.addf %dot_general3A_42, %dot_general3A_47 : vector<1024x768xf32>
    %get3A_49 = arith.constant 0 : index
    %get3A_50 = arith.constant 0 : index
    %get3A_51 = vector.load %arg4[%get3A_49, %get3A_50] : memref<1x768xf32, #tpu.memory_space<vmem>>, vector<1x768xf32>
    %add3A_52 = vector.broadcast %get3A_51 : vector<1x768xf32> to vector<1024x768xf32>
    %add3A_53 = arith.addf %add3A_48, %add3A_52 : vector<1024x768xf32>
    %max3A = arith.constant 0.000000e+00 : f32
    %max3A_54 = vector.broadcast %max3A : f32 to vector<1024x768xf32>
    %max3A_55 = arith.maximumf %add3A_53, %max3A_54 : vector<1024x768xf32>
    %reduce_sum3A_56 = arith.constant dense<0.000000e+00> : vector<1024xf32>
    %reduce_sum3A_57 = vector.multi_reduction <add>, %max3A_55, %reduce_sum3A_56 [1] : vector<1024x768xf32> to vector<1024xf32>
    %broadcast_in_dim3A_58 = vector.shape_cast %reduce_sum3A_57 : vector<1024xf32> to vector<1024x1xf32>
    %div3A = arith.constant 7.680000e+02 : f32
    %div3A_59 = vector.broadcast %div3A : f32 to vector<1024x1xf32>
    %div3A_60 = arith.divf %broadcast_in_dim3A_58, %div3A_59 : vector<1024x1xf32>
    %sub3A_61 = vector.broadcast %div3A_60 : vector<1024x1xf32> to vector<1024x768xf32>
    %sub3A_62 = arith.subf %max3A_55, %sub3A_61 : vector<1024x768xf32>
    %integer_pow3A = arith.mulf %sub3A_62, %sub3A_62 : vector<1024x768xf32>
    %reduce_sum3A_63 = arith.constant dense<0.000000e+00> : vector<1024xf32>
    %reduce_sum3A_64 = vector.multi_reduction <add>, %integer_pow3A, %reduce_sum3A_63 [1] : vector<1024x768xf32> to vector<1024xf32>
    %broadcast_in_dim3A_65 = vector.shape_cast %reduce_sum3A_64 : vector<1024xf32> to vector<1024x1xf32>
    %div3A_66 = arith.constant 7.680000e+02 : f32
    %div3A_67 = vector.broadcast %div3A_66 : f32 to vector<1024x1xf32>
    %div3A_68 = arith.divf %broadcast_in_dim3A_65, %div3A_67 : vector<1024x1xf32>
    %sub3A_69 = vector.broadcast %div3A_60 : vector<1024x1xf32> to vector<1024x768xf32>
    %sub3A_70 = arith.subf %max3A_55, %sub3A_69 : vector<1024x768xf32>
    %add3A_71 = arith.constant 9.99999996E-13 : f32
    %add3A_72 = vector.broadcast %add3A_71 : f32 to vector<1024x1xf32>
    %add3A_73 = arith.addf %div3A_68, %add3A_72 : vector<1024x1xf32>
    %rsqrt3A_74 = math.rsqrt %add3A_73 : vector<1024x1xf32>
    %mul3A_75 = vector.broadcast %rsqrt3A_74 : vector<1024x1xf32> to vector<1024x768xf32>
    %mul3A_76 = arith.mulf %sub3A_70, %mul3A_75 : vector<1024x768xf32>
    %get3A_77 = arith.constant 0 : index
    %get3A_78 = arith.constant 0 : index
    %get3A_79 = vector.load %arg5[%get3A_77, %get3A_78] : memref<1x768xf32, #tpu.memory_space<vmem>>, vector<1x768xf32>
    %mul3A_80 = vector.broadcast %get3A_79 : vector<1x768xf32> to vector<1024x768xf32>
    %mul3A_81 = arith.mulf %mul3A_76, %mul3A_80 : vector<1024x768xf32>
    %get3A_82 = arith.constant 0 : index
    %get3A_83 = arith.constant 0 : index
    %get3A_84 = vector.load %arg6[%get3A_82, %get3A_83] : memref<1x768xf32, #tpu.memory_space<vmem>>, vector<1x768xf32>
    %add3A_85 = vector.broadcast %get3A_84 : vector<1x768xf32> to vector<1024x768xf32>
    %add3A_86 = arith.addf %mul3A_81, %add3A_85 : vector<1024x768xf32>
    %swap3A = arith.constant 0 : index
    %swap3A_87 = arith.constant 0 : index
    %swap3A_88 = vector.load %arg7[%swap3A, %swap3A_87] : memref<1024x768xf32, #tpu.memory_space<vmem>>, vector<1024x768xf32>
    tpu.vector_store %arg7[%swap3A, %swap3A_87], %add3A_86 {strides = array<i32>} : memref<1024x768xf32, #tpu.memory_space<vmem>>, vector<1024x768xf32>,
    return
  }
  func.func @transform_1(%arg0: i32) -> (i32, i32) {
    %c0_i32 = arith.constant 0 : i32
    %c0_i32_0 = arith.constant 0 : i32
    return %arg0, %c0_i32 : i32, i32
  }
  func.func @transform_2(%arg0: i32) -> (i32, i32) {
    %c0_i32 = arith.constant 0 : i32
    %c0_i32_0 = arith.constant 0 : i32
    %c0_i32_1 = arith.constant 0 : i32
    return %c0_i32, %c0_i32_0 : i32, i32
  }
  func.func @transform_3(%arg0: i32) -> (i32, i32) {
    %c0_i32 = arith.constant 0 : i32
    %c0_i32_0 = arith.constant 0 : i32
    %c0_i32_1 = arith.constant 0 : i32
    return %c0_i32, %c0_i32_0 : i32, i32
  }
  func.func @transform_4(%arg0: i32) -> (i32, i32) {
    %c0_i32 = arith.constant 0 : i32
    %c0_i32_0 = arith.constant 0 : i32
    %c0_i32_1 = arith.constant 0 : i32
    return %c0_i32, %c0_i32_0 : i32, i32
  }
  func.func @transform_5(%arg0: i32) -> (i32, i32) {
    %c0_i32 = arith.constant 0 : i32
    %c0_i32_0 = arith.constant 0 : i32
    %c0_i32_1 = arith.constant 0 : i32
    return %c0_i32, %c0_i32_0 : i32, i32
  }
  func.func @transform_6(%arg0: i32) -> (i32, i32) {
    %add3A = arith.constant 8 : i32
    %add3A_0 = arith.addi %add3A, %arg0 : i32
    %c0_i32 = arith.constant 0 : i32
    %c0_i32_1 = arith.constant 0 : i32
    return %add3A_0, %c0_i32 : i32, i32
  }
}

module attributes {stable_mosaic.version = 14 : i64} {
  func.func @_acc_body(%arg0: i32, %arg1: memref<204800x768xf32, #tpu.memory_space<any>>, %arg2: memref<1024x256xf32, #tpu.memory_space<vmem>>, %arg3: memref<512x768xbf16, #tpu.memory_space<vmem>>, %arg4: memref<1x768xf32, #tpu.memory_space<vmem>>, %arg5: memref<1x768xf32, #tpu.memory_space<vmem>>, %arg6: memref<1x768xf32, #tpu.memory_space<vmem>>, %arg7: memref<1024x768xf32, #tpu.memory_space<vmem>>) attributes {dimension_semantics = [#tpu.dimension_semantics<arbitrary>], iteration_bounds = array<i64: 48>, scalar_prefetch = 0 : i64, scratch_operands = 0 : i64, tpu.core_type = #tpu.core_type<tc>, window_params = [{}, {transform_indices = @transform_1, window_bounds = array<i64: 1024, 256>}, {pipeline_mode = #tpu.pipeline_mode<synchronous>, transform_indices = @transform_2, window_bounds = array<i64: 512, 768>}, {pipeline_mode = #tpu.pipeline_mode<synchronous>, transform_indices = @transform_3, window_bounds = array<i64: 1, 768>}, {pipeline_mode = #tpu.pipeline_mode<synchronous>, transform_indices = @transform_4, window_bounds = array<i64: 1, 768>}, {pipeline_mode = #tpu.pipeline_mode<synchronous>, transform_indices = @transform_5, window_bounds = array<i64: 1, 768>}, {transform_indices = @transform_6, window_bounds = array<i64: 1024, 768>}]} {
    %get3A = arith.constant 0 : index
    %get3A_0 = arith.constant 0 : index
    %get3A_1 = vector.load %arg2[%get3A, %get3A_0] : memref<1024x256xf32, #tpu.memory_space<vmem>>, vector<1024x256xf32>
    %bitcast_convert_type3A = tpu.bitcast %get3A_1 : vector<1024x256xf32> -> vector<1024x256xi32>
    %shift_left3A = arith.constant 16 : i32
    %shift_left3A_2 = vector.broadcast %shift_left3A : i32 to vector<1024x256xi32>
    %shift_left3A_3 = arith.shli %bitcast_convert_type3A, %shift_left3A_2 : vector<1024x256xi32>
    %bitcast_convert_type3A_4 = tpu.bitcast %shift_left3A_3 : vector<1024x256xi32> -> vector<1024x256xf32>
    %and3A = arith.constant -65536 : i32
    %and3A_5 = vector.broadcast %and3A : i32 to vector<1024x256xi32>
    %and3A_6 = arith.andi %bitcast_convert_type3A, %and3A_5 : vector<1024x256xi32>
    %bitcast_convert_type3A_7 = tpu.bitcast %and3A_6 : vector<1024x256xi32> -> vector<1024x256xf32>
    %reduce_sum3A = arith.constant dense<0.000000e+00> : vector<1024xf32>
    %reduce_sum3A_8 = vector.multi_reduction <add>, %bitcast_convert_type3A_4, %reduce_sum3A [1] : vector<1024x256xf32> to vector<1024xf32>
    %broadcast_in_dim3A = vector.shape_cast %reduce_sum3A_8 : vector<1024xf32> to vector<1024x1xf32>
    %reduce_sum3A_9 = arith.constant dense<0.000000e+00> : vector<1024xf32>
    %reduce_sum3A_10 = vector.multi_reduction <add>, %bitcast_convert_type3A_7, %reduce_sum3A_9 [1] : vector<1024x256xf32> to vector<1024xf32>
    %broadcast_in_dim3A_11 = vector.shape_cast %reduce_sum3A_10 : vector<1024xf32> to vector<1024x1xf32>
    %add3A = arith.addf %broadcast_in_dim3A, %broadcast_in_dim3A_11 : vector<1024x1xf32>
    %mul3A = arith.mulf %bitcast_convert_type3A_4, %bitcast_convert_type3A_4 : vector<1024x256xf32>
    %reduce_sum3A_12 = arith.constant dense<0.000000e+00> : vector<1024xf32>
    %reduce_sum3A_13 = vector.multi_reduction <add>, %mul3A, %reduce_sum3A_12 [1] : vector<1024x256xf32> to vector<1024xf32>
    %broadcast_in_dim3A_14 = vector.shape_cast %reduce_sum3A_13 : vector<1024xf32> to vector<1024x1xf32>
    %mul3A_15 = arith.mulf %bitcast_convert_type3A_7, %bitcast_convert_type3A_7 : vector<1024x256xf32>
    %reduce_sum3A_16 = arith.constant dense<0.000000e+00> : vector<1024xf32>
    %reduce_sum3A_17 = vector.multi_reduction <add>, %mul3A_15, %reduce_sum3A_16 [1] : vector<1024x256xf32> to vector<1024xf32>
    %broadcast_in_dim3A_18 = vector.shape_cast %reduce_sum3A_17 : vector<1024xf32> to vector<1024x1xf32>
    %add3A_19 = arith.addf %broadcast_in_dim3A_14, %broadcast_in_dim3A_18 : vector<1024x1xf32>
    %mul3A_20 = arith.constant 0.00333333341 : f32
    %mul3A_21 = vector.broadcast %mul3A_20 : f32 to vector<1024x1xf32>
    %mul3A_22 = arith.mulf %add3A, %mul3A_21 : vector<1024x1xf32>
    %mul3A_23 = arith.constant 0.00333333341 : f32
    %mul3A_24 = vector.broadcast %mul3A_23 : f32 to vector<1024x1xf32>
    %mul3A_25 = arith.mulf %add3A_19, %mul3A_24 : vector<1024x1xf32>
    %mul3A_26 = arith.mulf %mul3A_22, %mul3A_22 : vector<1024x1xf32>
    %sub3A = arith.subf %mul3A_25, %mul3A_26 : vector<1024x1xf32>
    %add3A_27 = arith.constant 9.99999996E-13 : f32
    %add3A_28 = vector.broadcast %add3A_27 : f32 to vector<1024x1xf32>
    %add3A_29 = arith.addf %sub3A, %add3A_28 : vector<1024x1xf32>
    %rsqrt3A = math.rsqrt %add3A_29 : vector<1024x1xf32>
    %sub3A_30 = vector.broadcast %mul3A_22 : vector<1024x1xf32> to vector<1024x256xf32>
    %sub3A_31 = arith.subf %bitcast_convert_type3A_4, %sub3A_30 : vector<1024x256xf32>
    %mul3A_32 = vector.broadcast %rsqrt3A : vector<1024x1xf32> to vector<1024x256xf32>
    %mul3A_33 = arith.mulf %sub3A_31, %mul3A_32 : vector<1024x256xf32>
    %convert_element_type3A = arith.truncf %mul3A_33 : vector<1024x256xf32> to vector<1024x256xbf16>
    %sub3A_34 = vector.broadcast %mul3A_22 : vector<1024x1xf32> to vector<1024x256xf32>
    %sub3A_35 = arith.subf %bitcast_convert_type3A_7, %sub3A_34 : vector<1024x256xf32>
    %mul3A_36 = vector.broadcast %rsqrt3A : vector<1024x1xf32> to vector<1024x256xf32>
    %mul3A_37 = arith.mulf %sub3A_35, %mul3A_36 : vector<1024x256xf32>
    %convert_element_type3A_38 = arith.truncf %mul3A_37 : vector<1024x256xf32> to vector<1024x256xbf16>
    %get3A_39 = arith.constant 0 : index
    %get3A_40 = arith.constant 0 : index
    %get3A_41 = vector.load %arg3[%get3A_39, %get3A_40] : memref<512x768xbf16, #tpu.memory_space<vmem>>, vector<256x768xbf16>
    %dot_general3A = arith.constant dense<0.000000e+00> : vector<1024x768xf32>
    %dot_general3A_42 = tpu.matmul %convert_element_type3A, %get3A_41, %dot_general3A {dimension_numbers = #tpu.dot_dimension_numbers<[1], [0], [0], [1], [0, 0, 1, 1], [], []>, transpose_lhs_hint = false} : vector<1024x256xbf16>, vector<256x768xbf16>, vector<1024x768xf32> -> vector<1024x768xf32>
    %get3A_43 = arith.constant 256 : index
    %get3A_44 = arith.constant 0 : index
    %get3A_45 = vector.load %arg3[%get3A_43, %get3A_44] : memref<512x768xbf16, #tpu.memory_space<vmem>>, vector<256x768xbf16>
    %dot_general3A_46 = arith.constant dense<0.000000e+00> : vector<1024x768xf32>
    %dot_general3A_47 = tpu.matmul %convert_element_type3A_38, %get3A_45, %dot_general3A_46 {dimension_numbers = #tpu.dot_dimension_numbers<[1], [0], [0], [1], [0, 0, 1, 1], [], []>, transpose_lhs_hint = false} : vector<1024x256xbf16>, vector<256x768xbf16>, vector<1024x768xf32> -> vector<1024x768xf32>
    %add3A_48 = arith.addf %dot_general3A_42, %dot_general3A_47 : vector<1024x768xf32>
    %get3A_49 = arith.constant 0 : index
    %get3A_50 = arith.constant 0 : index
    %get3A_51 = vector.load %arg4[%get3A_49, %get3A_50] : memref<1x768xf32, #tpu.memory_space<vmem>>, vector<1x768xf32>
    %add3A_52 = vector.broadcast %get3A_51 : vector<1x768xf32> to vector<1024x768xf32>
    %add3A_53 = arith.addf %add3A_48, %add3A_52 : vector<1024x768xf32>
    %max3A = arith.constant 0.000000e+00 : f32
    %max3A_54 = vector.broadcast %max3A : f32 to vector<1024x768xf32>
    %max3A_55 = arith.maximumf %add3A_53, %max3A_54 : vector<1024x768xf32>
    %reduce_sum3A_56 = arith.constant dense<0.000000e+00> : vector<1024xf32>
    %reduce_sum3A_57 = vector.multi_reduction <add>, %max3A_55, %reduce_sum3A_56 [1] : vector<1024x768xf32> to vector<1024xf32>
    %broadcast_in_dim3A_58 = vector.shape_cast %reduce_sum3A_57 : vector<1024xf32> to vector<1024x1xf32>
    %div3A = arith.constant 7.680000e+02 : f32
    %div3A_59 = vector.broadcast %div3A : f32 to vector<1024x1xf32>
    %div3A_60 = arith.divf %broadcast_in_dim3A_58, %div3A_59 : vector<1024x1xf32>
    %sub3A_61 = vector.broadcast %div3A_60 : vector<1024x1xf32> to vector<1024x768xf32>
    %sub3A_62 = arith.subf %max3A_55, %sub3A_61 : vector<1024x768xf32>
    %integer_pow3A = arith.mulf %sub3A_62, %sub3A_62 : vector<1024x768xf32>
    %reduce_sum3A_63 = arith.constant dense<0.000000e+00> : vector<1024xf32>
    %reduce_sum3A_64 = vector.multi_reduction <add>, %integer_pow3A, %reduce_sum3A_63 [1] : vector<1024x768xf32> to vector<1024xf32>
    %broadcast_in_dim3A_65 = vector.shape_cast %reduce_sum3A_64 : vector<1024xf32> to vector<1024x1xf32>
    %div3A_66 = arith.constant 7.680000e+02 : f32
    %div3A_67 = vector.broadcast %div3A_66 : f32 to vector<1024x1xf32>
    %div3A_68 = arith.divf %broadcast_in_dim3A_65, %div3A_67 : vector<1024x1xf32>
    %sub3A_69 = vector.broadcast %div3A_60 : vector<1024x1xf32> to vector<1024x768xf32>
    %sub3A_70 = arith.subf %max3A_55, %sub3A_69 : vector<1024x768xf32>
    %add3A_71 = arith.constant 9.99999996E-13 : f32
    %add3A_72 = vector.broadcast %add3A_71 : f32 to vector<1024x1xf32>
    %add3A_73 = arith.addf %div3A_68, %add3A_72 : vector<1024x1xf32>
    %rsqrt3A_74 = math.rsqrt %add3A_73 : vector<1024x1xf32>
    %mul3A_75 = vector.broadcast %rsqrt3A_74 : vector<1024x1xf32> to vector<1024x768xf32>
    %mul3A_76 = arith.mulf %sub3A_70, %mul3A_75 : vector<1024x768xf32>
    %get3A_77 = arith.constant 0 : index
    %get3A_78 = arith.constant 0 : index
    %get3A_79 = vector.load %arg5[%get3A_77, %get3A_78] : memref<1x768xf32, #tpu.memory_space<vmem>>, vector<1x768xf32>
    %mul3A_80 = vector.broadcast %get3A_79 : vector<1x768xf32> to vector<1024x768xf32>
    %mul3A_81 = arith.mulf %mul3A_76, %mul3A_80 : vector<1024x768xf32>
    %get3A_82 = arith.constant 0 : index
    %get3A_83 = arith.constant 0 : index
    %get3A_84 = vector.load %arg6[%get3A_82, %get3A_83] : memref<1x768xf32, #tpu.memory_space<vmem>>, vector<1x768xf32>
    %add3A_85 = vector.broadcast %get3A_84 : vector<1x768xf32> to vector<1024x768xf32>
    %add3A_86 = arith.addf %mul3A_81, %add3A_85 : vector<1024x768xf32>
    %swap3A = arith.constant 0 : index
    %swap3A_87 = arith.constant 0 : index
    %swap3A_88 = vector.load %arg7[%swap3A, %swap3A_87] : memref<1024x768xf32, #tpu.memory_space<vmem>>, vector<1024x768xf32>
    tpu.vector_store %arg7[%swap3A, %swap3A_87], %add3A_86 {strides = array<i32>} : memref<1024x768xf32, #tpu.memory_space<vmem>>, vector<1024x768xf32>,
    return
  }
  func.func @transform_1(%arg0: i32) -> (i32, i32) {
    %c0_i32 = arith.constant 0 : i32
    %c0_i32_0 = arith.constant 0 : i32
    return %arg0, %c0_i32 : i32, i32
  }
  func.func @transform_2(%arg0: i32) -> (i32, i32) {
    %c0_i32 = arith.constant 0 : i32
    %c0_i32_0 = arith.constant 0 : i32
    %c0_i32_1 = arith.constant 0 : i32
    return %c0_i32, %c0_i32_0 : i32, i32
  }
  func.func @transform_3(%arg0: i32) -> (i32, i32) {
    %c0_i32 = arith.constant 0 : i32
    %c0_i32_0 = arith.constant 0 : i32
    %c0_i32_1 = arith.constant 0 : i32
    return %c0_i32, %c0_i32_0 : i32, i32
  }
  func.func @transform_4(%arg0: i32) -> (i32, i32) {
    %c0_i32 = arith.constant 0 : i32
    %c0_i32_0 = arith.constant 0 : i32
    %c0_i32_1 = arith.constant 0 : i32
    return %c0_i32, %c0_i32_0 : i32, i32
  }
  func.func @transform_5(%arg0: i32) -> (i32, i32) {
    %c0_i32 = arith.constant 0 : i32
    %c0_i32_0 = arith.constant 0 : i32
    %c0_i32_1 = arith.constant 0 : i32
    return %c0_i32, %c0_i32_0 : i32, i32
  }
  func.func @transform_6(%arg0: i32) -> (i32, i32) {
    %add3A = arith.constant 56 : i32
    %add3A_0 = arith.addi %add3A, %arg0 : i32
    %c0_i32 = arith.constant 0 : i32
    %c0_i32_1 = arith.constant 0 : i32
    return %add3A_0, %c0_i32 : i32, i32
  }
}

module attributes {stable_mosaic.version = 14 : i64} {
  func.func @_acc_body(%arg0: i32, %arg1: memref<204800x768xf32, #tpu.memory_space<any>>, %arg2: memref<1024x256xf32, #tpu.memory_space<vmem>>, %arg3: memref<512x768xbf16, #tpu.memory_space<vmem>>, %arg4: memref<1x768xf32, #tpu.memory_space<vmem>>, %arg5: memref<1x768xf32, #tpu.memory_space<vmem>>, %arg6: memref<1x768xf32, #tpu.memory_space<vmem>>, %arg7: memref<1024x768xf32, #tpu.memory_space<vmem>>) attributes {dimension_semantics = [#tpu.dimension_semantics<arbitrary>], iteration_bounds = array<i64: 48>, scalar_prefetch = 0 : i64, scratch_operands = 0 : i64, tpu.core_type = #tpu.core_type<tc>, window_params = [{}, {transform_indices = @transform_1, window_bounds = array<i64: 1024, 256>}, {pipeline_mode = #tpu.pipeline_mode<synchronous>, transform_indices = @transform_2, window_bounds = array<i64: 512, 768>}, {pipeline_mode = #tpu.pipeline_mode<synchronous>, transform_indices = @transform_3, window_bounds = array<i64: 1, 768>}, {pipeline_mode = #tpu.pipeline_mode<synchronous>, transform_indices = @transform_4, window_bounds = array<i64: 1, 768>}, {pipeline_mode = #tpu.pipeline_mode<synchronous>, transform_indices = @transform_5, window_bounds = array<i64: 1, 768>}, {transform_indices = @transform_6, window_bounds = array<i64: 1024, 768>}]} {
    %get3A = arith.constant 0 : index
    %get3A_0 = arith.constant 0 : index
    %get3A_1 = vector.load %arg2[%get3A, %get3A_0] : memref<1024x256xf32, #tpu.memory_space<vmem>>, vector<1024x256xf32>
    %bitcast_convert_type3A = tpu.bitcast %get3A_1 : vector<1024x256xf32> -> vector<1024x256xi32>
    %shift_left3A = arith.constant 16 : i32
    %shift_left3A_2 = vector.broadcast %shift_left3A : i32 to vector<1024x256xi32>
    %shift_left3A_3 = arith.shli %bitcast_convert_type3A, %shift_left3A_2 : vector<1024x256xi32>
    %bitcast_convert_type3A_4 = tpu.bitcast %shift_left3A_3 : vector<1024x256xi32> -> vector<1024x256xf32>
    %and3A = arith.constant -65536 : i32
    %and3A_5 = vector.broadcast %and3A : i32 to vector<1024x256xi32>
    %and3A_6 = arith.andi %bitcast_convert_type3A, %and3A_5 : vector<1024x256xi32>
    %bitcast_convert_type3A_7 = tpu.bitcast %and3A_6 : vector<1024x256xi32> -> vector<1024x256xf32>
    %reduce_sum3A = arith.constant dense<0.000000e+00> : vector<1024xf32>
    %reduce_sum3A_8 = vector.multi_reduction <add>, %bitcast_convert_type3A_4, %reduce_sum3A [1] : vector<1024x256xf32> to vector<1024xf32>
    %broadcast_in_dim3A = vector.shape_cast %reduce_sum3A_8 : vector<1024xf32> to vector<1024x1xf32>
    %reduce_sum3A_9 = arith.constant dense<0.000000e+00> : vector<1024xf32>
    %reduce_sum3A_10 = vector.multi_reduction <add>, %bitcast_convert_type3A_7, %reduce_sum3A_9 [1] : vector<1024x256xf32> to vector<1024xf32>
    %broadcast_in_dim3A_11 = vector.shape_cast %reduce_sum3A_10 : vector<1024xf32> to vector<1024x1xf32>
    %add3A = arith.addf %broadcast_in_dim3A, %broadcast_in_dim3A_11 : vector<1024x1xf32>
    %mul3A = arith.mulf %bitcast_convert_type3A_4, %bitcast_convert_type3A_4 : vector<1024x256xf32>
    %reduce_sum3A_12 = arith.constant dense<0.000000e+00> : vector<1024xf32>
    %reduce_sum3A_13 = vector.multi_reduction <add>, %mul3A, %reduce_sum3A_12 [1] : vector<1024x256xf32> to vector<1024xf32>
    %broadcast_in_dim3A_14 = vector.shape_cast %reduce_sum3A_13 : vector<1024xf32> to vector<1024x1xf32>
    %mul3A_15 = arith.mulf %bitcast_convert_type3A_7, %bitcast_convert_type3A_7 : vector<1024x256xf32>
    %reduce_sum3A_16 = arith.constant dense<0.000000e+00> : vector<1024xf32>
    %reduce_sum3A_17 = vector.multi_reduction <add>, %mul3A_15, %reduce_sum3A_16 [1] : vector<1024x256xf32> to vector<1024xf32>
    %broadcast_in_dim3A_18 = vector.shape_cast %reduce_sum3A_17 : vector<1024xf32> to vector<1024x1xf32>
    %add3A_19 = arith.addf %broadcast_in_dim3A_14, %broadcast_in_dim3A_18 : vector<1024x1xf32>
    %mul3A_20 = arith.constant 0.00333333341 : f32
    %mul3A_21 = vector.broadcast %mul3A_20 : f32 to vector<1024x1xf32>
    %mul3A_22 = arith.mulf %add3A, %mul3A_21 : vector<1024x1xf32>
    %mul3A_23 = arith.constant 0.00333333341 : f32
    %mul3A_24 = vector.broadcast %mul3A_23 : f32 to vector<1024x1xf32>
    %mul3A_25 = arith.mulf %add3A_19, %mul3A_24 : vector<1024x1xf32>
    %mul3A_26 = arith.mulf %mul3A_22, %mul3A_22 : vector<1024x1xf32>
    %sub3A = arith.subf %mul3A_25, %mul3A_26 : vector<1024x1xf32>
    %add3A_27 = arith.constant 9.99999996E-13 : f32
    %add3A_28 = vector.broadcast %add3A_27 : f32 to vector<1024x1xf32>
    %add3A_29 = arith.addf %sub3A, %add3A_28 : vector<1024x1xf32>
    %rsqrt3A = math.rsqrt %add3A_29 : vector<1024x1xf32>
    %sub3A_30 = vector.broadcast %mul3A_22 : vector<1024x1xf32> to vector<1024x256xf32>
    %sub3A_31 = arith.subf %bitcast_convert_type3A_4, %sub3A_30 : vector<1024x256xf32>
    %mul3A_32 = vector.broadcast %rsqrt3A : vector<1024x1xf32> to vector<1024x256xf32>
    %mul3A_33 = arith.mulf %sub3A_31, %mul3A_32 : vector<1024x256xf32>
    %convert_element_type3A = arith.truncf %mul3A_33 : vector<1024x256xf32> to vector<1024x256xbf16>
    %sub3A_34 = vector.broadcast %mul3A_22 : vector<1024x1xf32> to vector<1024x256xf32>
    %sub3A_35 = arith.subf %bitcast_convert_type3A_7, %sub3A_34 : vector<1024x256xf32>
    %mul3A_36 = vector.broadcast %rsqrt3A : vector<1024x1xf32> to vector<1024x256xf32>
    %mul3A_37 = arith.mulf %sub3A_35, %mul3A_36 : vector<1024x256xf32>
    %convert_element_type3A_38 = arith.truncf %mul3A_37 : vector<1024x256xf32> to vector<1024x256xbf16>
    %get3A_39 = arith.constant 0 : index
    %get3A_40 = arith.constant 0 : index
    %get3A_41 = vector.load %arg3[%get3A_39, %get3A_40] : memref<512x768xbf16, #tpu.memory_space<vmem>>, vector<256x768xbf16>
    %dot_general3A = arith.constant dense<0.000000e+00> : vector<1024x768xf32>
    %dot_general3A_42 = tpu.matmul %convert_element_type3A, %get3A_41, %dot_general3A {dimension_numbers = #tpu.dot_dimension_numbers<[1], [0], [0], [1], [0, 0, 1, 1], [], []>, transpose_lhs_hint = false} : vector<1024x256xbf16>, vector<256x768xbf16>, vector<1024x768xf32> -> vector<1024x768xf32>
    %get3A_43 = arith.constant 256 : index
    %get3A_44 = arith.constant 0 : index
    %get3A_45 = vector.load %arg3[%get3A_43, %get3A_44] : memref<512x768xbf16, #tpu.memory_space<vmem>>, vector<256x768xbf16>
    %dot_general3A_46 = arith.constant dense<0.000000e+00> : vector<1024x768xf32>
    %dot_general3A_47 = tpu.matmul %convert_element_type3A_38, %get3A_45, %dot_general3A_46 {dimension_numbers = #tpu.dot_dimension_numbers<[1], [0], [0], [1], [0, 0, 1, 1], [], []>, transpose_lhs_hint = false} : vector<1024x256xbf16>, vector<256x768xbf16>, vector<1024x768xf32> -> vector<1024x768xf32>
    %add3A_48 = arith.addf %dot_general3A_42, %dot_general3A_47 : vector<1024x768xf32>
    %get3A_49 = arith.constant 0 : index
    %get3A_50 = arith.constant 0 : index
    %get3A_51 = vector.load %arg4[%get3A_49, %get3A_50] : memref<1x768xf32, #tpu.memory_space<vmem>>, vector<1x768xf32>
    %add3A_52 = vector.broadcast %get3A_51 : vector<1x768xf32> to vector<1024x768xf32>
    %add3A_53 = arith.addf %add3A_48, %add3A_52 : vector<1024x768xf32>
    %max3A = arith.constant 0.000000e+00 : f32
    %max3A_54 = vector.broadcast %max3A : f32 to vector<1024x768xf32>
    %max3A_55 = arith.maximumf %add3A_53, %max3A_54 : vector<1024x768xf32>
    %reduce_sum3A_56 = arith.constant dense<0.000000e+00> : vector<1024xf32>
    %reduce_sum3A_57 = vector.multi_reduction <add>, %max3A_55, %reduce_sum3A_56 [1] : vector<1024x768xf32> to vector<1024xf32>
    %broadcast_in_dim3A_58 = vector.shape_cast %reduce_sum3A_57 : vector<1024xf32> to vector<1024x1xf32>
    %div3A = arith.constant 7.680000e+02 : f32
    %div3A_59 = vector.broadcast %div3A : f32 to vector<1024x1xf32>
    %div3A_60 = arith.divf %broadcast_in_dim3A_58, %div3A_59 : vector<1024x1xf32>
    %sub3A_61 = vector.broadcast %div3A_60 : vector<1024x1xf32> to vector<1024x768xf32>
    %sub3A_62 = arith.subf %max3A_55, %sub3A_61 : vector<1024x768xf32>
    %integer_pow3A = arith.mulf %sub3A_62, %sub3A_62 : vector<1024x768xf32>
    %reduce_sum3A_63 = arith.constant dense<0.000000e+00> : vector<1024xf32>
    %reduce_sum3A_64 = vector.multi_reduction <add>, %integer_pow3A, %reduce_sum3A_63 [1] : vector<1024x768xf32> to vector<1024xf32>
    %broadcast_in_dim3A_65 = vector.shape_cast %reduce_sum3A_64 : vector<1024xf32> to vector<1024x1xf32>
    %div3A_66 = arith.constant 7.680000e+02 : f32
    %div3A_67 = vector.broadcast %div3A_66 : f32 to vector<1024x1xf32>
    %div3A_68 = arith.divf %broadcast_in_dim3A_65, %div3A_67 : vector<1024x1xf32>
    %sub3A_69 = vector.broadcast %div3A_60 : vector<1024x1xf32> to vector<1024x768xf32>
    %sub3A_70 = arith.subf %max3A_55, %sub3A_69 : vector<1024x768xf32>
    %add3A_71 = arith.constant 9.99999996E-13 : f32
    %add3A_72 = vector.broadcast %add3A_71 : f32 to vector<1024x1xf32>
    %add3A_73 = arith.addf %div3A_68, %add3A_72 : vector<1024x1xf32>
    %rsqrt3A_74 = math.rsqrt %add3A_73 : vector<1024x1xf32>
    %mul3A_75 = vector.broadcast %rsqrt3A_74 : vector<1024x1xf32> to vector<1024x768xf32>
    %mul3A_76 = arith.mulf %sub3A_70, %mul3A_75 : vector<1024x768xf32>
    %get3A_77 = arith.constant 0 : index
    %get3A_78 = arith.constant 0 : index
    %get3A_79 = vector.load %arg5[%get3A_77, %get3A_78] : memref<1x768xf32, #tpu.memory_space<vmem>>, vector<1x768xf32>
    %mul3A_80 = vector.broadcast %get3A_79 : vector<1x768xf32> to vector<1024x768xf32>
    %mul3A_81 = arith.mulf %mul3A_76, %mul3A_80 : vector<1024x768xf32>
    %get3A_82 = arith.constant 0 : index
    %get3A_83 = arith.constant 0 : index
    %get3A_84 = vector.load %arg6[%get3A_82, %get3A_83] : memref<1x768xf32, #tpu.memory_space<vmem>>, vector<1x768xf32>
    %add3A_85 = vector.broadcast %get3A_84 : vector<1x768xf32> to vector<1024x768xf32>
    %add3A_86 = arith.addf %mul3A_81, %add3A_85 : vector<1024x768xf32>
    %swap3A = arith.constant 0 : index
    %swap3A_87 = arith.constant 0 : index
    %swap3A_88 = vector.load %arg7[%swap3A, %swap3A_87] : memref<1024x768xf32, #tpu.memory_space<vmem>>, vector<1024x768xf32>
    tpu.vector_store %arg7[%swap3A, %swap3A_87], %add3A_86 {strides = array<i32>} : memref<1024x768xf32, #tpu.memory_space<vmem>>, vector<1024x768xf32>,
    return
  }
  func.func @transform_1(%arg0: i32) -> (i32, i32) {
    %c0_i32 = arith.constant 0 : i32
    %c0_i32_0 = arith.constant 0 : i32
    return %arg0, %c0_i32 : i32, i32
  }
  func.func @transform_2(%arg0: i32) -> (i32, i32) {
    %c0_i32 = arith.constant 0 : i32
    %c0_i32_0 = arith.constant 0 : i32
    %c0_i32_1 = arith.constant 0 : i32
    return %c0_i32, %c0_i32_0 : i32, i32
  }
  func.func @transform_3(%arg0: i32) -> (i32, i32) {
    %c0_i32 = arith.constant 0 : i32
    %c0_i32_0 = arith.constant 0 : i32
    %c0_i32_1 = arith.constant 0 : i32
    return %c0_i32, %c0_i32_0 : i32, i32
  }
  func.func @transform_4(%arg0: i32) -> (i32, i32) {
    %c0_i32 = arith.constant 0 : i32
    %c0_i32_0 = arith.constant 0 : i32
    %c0_i32_1 = arith.constant 0 : i32
    return %c0_i32, %c0_i32_0 : i32, i32
  }
  func.func @transform_5(%arg0: i32) -> (i32, i32) {
    %c0_i32 = arith.constant 0 : i32
    %c0_i32_0 = arith.constant 0 : i32
    %c0_i32_1 = arith.constant 0 : i32
    return %c0_i32, %c0_i32_0 : i32, i32
  }
  func.func @transform_6(%arg0: i32) -> (i32, i32) {
    %add3A = arith.constant 104 : i32
    %add3A_0 = arith.addi %add3A, %arg0 : i32
    %c0_i32 = arith.constant 0 : i32
    %c0_i32_1 = arith.constant 0 : i32
    return %add3A_0, %c0_i32 : i32, i32
  }
}

module attributes {stable_mosaic.version = 14 : i64} {
  func.func @_acc_body(%arg0: i32, %arg1: memref<204800x768xf32, #tpu.memory_space<any>>, %arg2: memref<1024x256xf32, #tpu.memory_space<vmem>>, %arg3: memref<512x768xbf16, #tpu.memory_space<vmem>>, %arg4: memref<1x768xf32, #tpu.memory_space<vmem>>, %arg5: memref<1x768xf32, #tpu.memory_space<vmem>>, %arg6: memref<1x768xf32, #tpu.memory_space<vmem>>, %arg7: memref<1024x768xf32, #tpu.memory_space<vmem>>) attributes {dimension_semantics = [#tpu.dimension_semantics<arbitrary>], iteration_bounds = array<i64: 48>, scalar_prefetch = 0 : i64, scratch_operands = 0 : i64, tpu.core_type = #tpu.core_type<tc>, window_params = [{}, {transform_indices = @transform_1, window_bounds = array<i64: 1024, 256>}, {pipeline_mode = #tpu.pipeline_mode<synchronous>, transform_indices = @transform_2, window_bounds = array<i64: 512, 768>}, {pipeline_mode = #tpu.pipeline_mode<synchronous>, transform_indices = @transform_3, window_bounds = array<i64: 1, 768>}, {pipeline_mode = #tpu.pipeline_mode<synchronous>, transform_indices = @transform_4, window_bounds = array<i64: 1, 768>}, {pipeline_mode = #tpu.pipeline_mode<synchronous>, transform_indices = @transform_5, window_bounds = array<i64: 1, 768>}, {transform_indices = @transform_6, window_bounds = array<i64: 1024, 768>}]} {
    %get3A = arith.constant 0 : index
    %get3A_0 = arith.constant 0 : index
    %get3A_1 = vector.load %arg2[%get3A, %get3A_0] : memref<1024x256xf32, #tpu.memory_space<vmem>>, vector<1024x256xf32>
    %bitcast_convert_type3A = tpu.bitcast %get3A_1 : vector<1024x256xf32> -> vector<1024x256xi32>
    %shift_left3A = arith.constant 16 : i32
    %shift_left3A_2 = vector.broadcast %shift_left3A : i32 to vector<1024x256xi32>
    %shift_left3A_3 = arith.shli %bitcast_convert_type3A, %shift_left3A_2 : vector<1024x256xi32>
    %bitcast_convert_type3A_4 = tpu.bitcast %shift_left3A_3 : vector<1024x256xi32> -> vector<1024x256xf32>
    %and3A = arith.constant -65536 : i32
    %and3A_5 = vector.broadcast %and3A : i32 to vector<1024x256xi32>
    %and3A_6 = arith.andi %bitcast_convert_type3A, %and3A_5 : vector<1024x256xi32>
    %bitcast_convert_type3A_7 = tpu.bitcast %and3A_6 : vector<1024x256xi32> -> vector<1024x256xf32>
    %reduce_sum3A = arith.constant dense<0.000000e+00> : vector<1024xf32>
    %reduce_sum3A_8 = vector.multi_reduction <add>, %bitcast_convert_type3A_4, %reduce_sum3A [1] : vector<1024x256xf32> to vector<1024xf32>
    %broadcast_in_dim3A = vector.shape_cast %reduce_sum3A_8 : vector<1024xf32> to vector<1024x1xf32>
    %reduce_sum3A_9 = arith.constant dense<0.000000e+00> : vector<1024xf32>
    %reduce_sum3A_10 = vector.multi_reduction <add>, %bitcast_convert_type3A_7, %reduce_sum3A_9 [1] : vector<1024x256xf32> to vector<1024xf32>
    %broadcast_in_dim3A_11 = vector.shape_cast %reduce_sum3A_10 : vector<1024xf32> to vector<1024x1xf32>
    %add3A = arith.addf %broadcast_in_dim3A, %broadcast_in_dim3A_11 : vector<1024x1xf32>
    %mul3A = arith.mulf %bitcast_convert_type3A_4, %bitcast_convert_type3A_4 : vector<1024x256xf32>
    %reduce_sum3A_12 = arith.constant dense<0.000000e+00> : vector<1024xf32>
    %reduce_sum3A_13 = vector.multi_reduction <add>, %mul3A, %reduce_sum3A_12 [1] : vector<1024x256xf32> to vector<1024xf32>
    %broadcast_in_dim3A_14 = vector.shape_cast %reduce_sum3A_13 : vector<1024xf32> to vector<1024x1xf32>
    %mul3A_15 = arith.mulf %bitcast_convert_type3A_7, %bitcast_convert_type3A_7 : vector<1024x256xf32>
    %reduce_sum3A_16 = arith.constant dense<0.000000e+00> : vector<1024xf32>
    %reduce_sum3A_17 = vector.multi_reduction <add>, %mul3A_15, %reduce_sum3A_16 [1] : vector<1024x256xf32> to vector<1024xf32>
    %broadcast_in_dim3A_18 = vector.shape_cast %reduce_sum3A_17 : vector<1024xf32> to vector<1024x1xf32>
    %add3A_19 = arith.addf %broadcast_in_dim3A_14, %broadcast_in_dim3A_18 : vector<1024x1xf32>
    %mul3A_20 = arith.constant 0.00333333341 : f32
    %mul3A_21 = vector.broadcast %mul3A_20 : f32 to vector<1024x1xf32>
    %mul3A_22 = arith.mulf %add3A, %mul3A_21 : vector<1024x1xf32>
    %mul3A_23 = arith.constant 0.00333333341 : f32
    %mul3A_24 = vector.broadcast %mul3A_23 : f32 to vector<1024x1xf32>
    %mul3A_25 = arith.mulf %add3A_19, %mul3A_24 : vector<1024x1xf32>
    %mul3A_26 = arith.mulf %mul3A_22, %mul3A_22 : vector<1024x1xf32>
    %sub3A = arith.subf %mul3A_25, %mul3A_26 : vector<1024x1xf32>
    %add3A_27 = arith.constant 9.99999996E-13 : f32
    %add3A_28 = vector.broadcast %add3A_27 : f32 to vector<1024x1xf32>
    %add3A_29 = arith.addf %sub3A, %add3A_28 : vector<1024x1xf32>
    %rsqrt3A = math.rsqrt %add3A_29 : vector<1024x1xf32>
    %sub3A_30 = vector.broadcast %mul3A_22 : vector<1024x1xf32> to vector<1024x256xf32>
    %sub3A_31 = arith.subf %bitcast_convert_type3A_4, %sub3A_30 : vector<1024x256xf32>
    %mul3A_32 = vector.broadcast %rsqrt3A : vector<1024x1xf32> to vector<1024x256xf32>
    %mul3A_33 = arith.mulf %sub3A_31, %mul3A_32 : vector<1024x256xf32>
    %convert_element_type3A = arith.truncf %mul3A_33 : vector<1024x256xf32> to vector<1024x256xbf16>
    %sub3A_34 = vector.broadcast %mul3A_22 : vector<1024x1xf32> to vector<1024x256xf32>
    %sub3A_35 = arith.subf %bitcast_convert_type3A_7, %sub3A_34 : vector<1024x256xf32>
    %mul3A_36 = vector.broadcast %rsqrt3A : vector<1024x1xf32> to vector<1024x256xf32>
    %mul3A_37 = arith.mulf %sub3A_35, %mul3A_36 : vector<1024x256xf32>
    %convert_element_type3A_38 = arith.truncf %mul3A_37 : vector<1024x256xf32> to vector<1024x256xbf16>
    %get3A_39 = arith.constant 0 : index
    %get3A_40 = arith.constant 0 : index
    %get3A_41 = vector.load %arg3[%get3A_39, %get3A_40] : memref<512x768xbf16, #tpu.memory_space<vmem>>, vector<256x768xbf16>
    %dot_general3A = arith.constant dense<0.000000e+00> : vector<1024x768xf32>
    %dot_general3A_42 = tpu.matmul %convert_element_type3A, %get3A_41, %dot_general3A {dimension_numbers = #tpu.dot_dimension_numbers<[1], [0], [0], [1], [0, 0, 1, 1], [], []>, transpose_lhs_hint = false} : vector<1024x256xbf16>, vector<256x768xbf16>, vector<1024x768xf32> -> vector<1024x768xf32>
    %get3A_43 = arith.constant 256 : index
    %get3A_44 = arith.constant 0 : index
    %get3A_45 = vector.load %arg3[%get3A_43, %get3A_44] : memref<512x768xbf16, #tpu.memory_space<vmem>>, vector<256x768xbf16>
    %dot_general3A_46 = arith.constant dense<0.000000e+00> : vector<1024x768xf32>
    %dot_general3A_47 = tpu.matmul %convert_element_type3A_38, %get3A_45, %dot_general3A_46 {dimension_numbers = #tpu.dot_dimension_numbers<[1], [0], [0], [1], [0, 0, 1, 1], [], []>, transpose_lhs_hint = false} : vector<1024x256xbf16>, vector<256x768xbf16>, vector<1024x768xf32> -> vector<1024x768xf32>
    %add3A_48 = arith.addf %dot_general3A_42, %dot_general3A_47 : vector<1024x768xf32>
    %get3A_49 = arith.constant 0 : index
    %get3A_50 = arith.constant 0 : index
    %get3A_51 = vector.load %arg4[%get3A_49, %get3A_50] : memref<1x768xf32, #tpu.memory_space<vmem>>, vector<1x768xf32>
    %add3A_52 = vector.broadcast %get3A_51 : vector<1x768xf32> to vector<1024x768xf32>
    %add3A_53 = arith.addf %add3A_48, %add3A_52 : vector<1024x768xf32>
    %max3A = arith.constant 0.000000e+00 : f32
    %max3A_54 = vector.broadcast %max3A : f32 to vector<1024x768xf32>
    %max3A_55 = arith.maximumf %add3A_53, %max3A_54 : vector<1024x768xf32>
    %reduce_sum3A_56 = arith.constant dense<0.000000e+00> : vector<1024xf32>
    %reduce_sum3A_57 = vector.multi_reduction <add>, %max3A_55, %reduce_sum3A_56 [1] : vector<1024x768xf32> to vector<1024xf32>
    %broadcast_in_dim3A_58 = vector.shape_cast %reduce_sum3A_57 : vector<1024xf32> to vector<1024x1xf32>
    %div3A = arith.constant 7.680000e+02 : f32
    %div3A_59 = vector.broadcast %div3A : f32 to vector<1024x1xf32>
    %div3A_60 = arith.divf %broadcast_in_dim3A_58, %div3A_59 : vector<1024x1xf32>
    %sub3A_61 = vector.broadcast %div3A_60 : vector<1024x1xf32> to vector<1024x768xf32>
    %sub3A_62 = arith.subf %max3A_55, %sub3A_61 : vector<1024x768xf32>
    %integer_pow3A = arith.mulf %sub3A_62, %sub3A_62 : vector<1024x768xf32>
    %reduce_sum3A_63 = arith.constant dense<0.000000e+00> : vector<1024xf32>
    %reduce_sum3A_64 = vector.multi_reduction <add>, %integer_pow3A, %reduce_sum3A_63 [1] : vector<1024x768xf32> to vector<1024xf32>
    %broadcast_in_dim3A_65 = vector.shape_cast %reduce_sum3A_64 : vector<1024xf32> to vector<1024x1xf32>
    %div3A_66 = arith.constant 7.680000e+02 : f32
    %div3A_67 = vector.broadcast %div3A_66 : f32 to vector<1024x1xf32>
    %div3A_68 = arith.divf %broadcast_in_dim3A_65, %div3A_67 : vector<1024x1xf32>
    %sub3A_69 = vector.broadcast %div3A_60 : vector<1024x1xf32> to vector<1024x768xf32>
    %sub3A_70 = arith.subf %max3A_55, %sub3A_69 : vector<1024x768xf32>
    %add3A_71 = arith.constant 9.99999996E-13 : f32
    %add3A_72 = vector.broadcast %add3A_71 : f32 to vector<1024x1xf32>
    %add3A_73 = arith.addf %div3A_68, %add3A_72 : vector<1024x1xf32>
    %rsqrt3A_74 = math.rsqrt %add3A_73 : vector<1024x1xf32>
    %mul3A_75 = vector.broadcast %rsqrt3A_74 : vector<1024x1xf32> to vector<1024x768xf32>
    %mul3A_76 = arith.mulf %sub3A_70, %mul3A_75 : vector<1024x768xf32>
    %get3A_77 = arith.constant 0 : index
    %get3A_78 = arith.constant 0 : index
    %get3A_79 = vector.load %arg5[%get3A_77, %get3A_78] : memref<1x768xf32, #tpu.memory_space<vmem>>, vector<1x768xf32>
    %mul3A_80 = vector.broadcast %get3A_79 : vector<1x768xf32> to vector<1024x768xf32>
    %mul3A_81 = arith.mulf %mul3A_76, %mul3A_80 : vector<1024x768xf32>
    %get3A_82 = arith.constant 0 : index
    %get3A_83 = arith.constant 0 : index
    %get3A_84 = vector.load %arg6[%get3A_82, %get3A_83] : memref<1x768xf32, #tpu.memory_space<vmem>>, vector<1x768xf32>
    %add3A_85 = vector.broadcast %get3A_84 : vector<1x768xf32> to vector<1024x768xf32>
    %add3A_86 = arith.addf %mul3A_81, %add3A_85 : vector<1024x768xf32>
    %swap3A = arith.constant 0 : index
    %swap3A_87 = arith.constant 0 : index
    %swap3A_88 = vector.load %arg7[%swap3A, %swap3A_87] : memref<1024x768xf32, #tpu.memory_space<vmem>>, vector<1024x768xf32>
    tpu.vector_store %arg7[%swap3A, %swap3A_87], %add3A_86 {strides = array<i32>} : memref<1024x768xf32, #tpu.memory_space<vmem>>, vector<1024x768xf32>,
    return
  }
  func.func @transform_1(%arg0: i32) -> (i32, i32) {
    %c0_i32 = arith.constant 0 : i32
    %c0_i32_0 = arith.constant 0 : i32
    return %arg0, %c0_i32 : i32, i32
  }
  func.func @transform_2(%arg0: i32) -> (i32, i32) {
    %c0_i32 = arith.constant 0 : i32
    %c0_i32_0 = arith.constant 0 : i32
    %c0_i32_1 = arith.constant 0 : i32
    return %c0_i32, %c0_i32_0 : i32, i32
  }
  func.func @transform_3(%arg0: i32) -> (i32, i32) {
    %c0_i32 = arith.constant 0 : i32
    %c0_i32_0 = arith.constant 0 : i32
    %c0_i32_1 = arith.constant 0 : i32
    return %c0_i32, %c0_i32_0 : i32, i32
  }
  func.func @transform_4(%arg0: i32) -> (i32, i32) {
    %c0_i32 = arith.constant 0 : i32
    %c0_i32_0 = arith.constant 0 : i32
    %c0_i32_1 = arith.constant 0 : i32
    return %c0_i32, %c0_i32_0 : i32, i32
  }
  func.func @transform_5(%arg0: i32) -> (i32, i32) {
    %c0_i32 = arith.constant 0 : i32
    %c0_i32_0 = arith.constant 0 : i32
    %c0_i32_1 = arith.constant 0 : i32
    return %c0_i32, %c0_i32_0 : i32, i32
  }
  func.func @transform_6(%arg0: i32) -> (i32, i32) {
    %add3A = arith.constant 152 : i32
    %add3A_0 = arith.addi %add3A, %arg0 : i32
    %c0_i32 = arith.constant 0 : i32
    %c0_i32_1 = arith.constant 0 : i32
    return %add3A_0, %c0_i32 : i32, i32
  }
}

</mosaic_0001>

<sc_bundles>
// kernel: kernel.13.cloned.1.call-start
scs
__scs_entry_jumppad:
0x0: {  	(pc) =	sbr.rel $0x88, $3  }
0x1: {  	(tag) =	ssettag $0x0;
	lr =	simm.s32 $0x1  }
0x2: {  	[smem:$0x3F99] =	sst lr;
	_ =	strace $0xD0000000  }
0x3: {  	_ = 	snop  }
0x4: {  	_ = 	snop  }
0x5: {  	_ = 	snop  }
0x6: {  	_ = 	snop  }
0x7: {  	_ = 	snop  }
__scs_overlays_trampoline_lowered:
0x8: {  	[smem:$0x3FA8] =	sst s0  }
0x9: {  	[smem:$0x3FA9] =	sst s1  }
0xa: {  	[smem:$0x3FAA] =	sst s2  }
0xb: {  	[smem:$0x3FAB] =	sst s3  }
0xc: {  	[smem:$0x3FAC] =	sst s4  }
0xd: {  	[smem:$0x3FAD] =	sst s5  }
0xe: {  	[smem:$0x3FAE] =	sst s6  }
0xf: {  	[smem:$0x3FAF] =	sst s7  }
0x10: {  	[smem:$0x3FB0] =	sst s8  }
0x11: {  	[smem:$0x3FB1] =	sst s9;
	s0 =	simm.s32 @!p0 $0x0  }
0x12: {  	s1 =	sld [smem:$0x3F97];
	s0 =	simm.s32 @p0 $0x1  }
0x13: {  	[smem:$0x3FB2] =	sst s0;
	s0 =	simm.s32 @!p1 $0x0  }
0x14: {  	s2 =	sld [smem:$0x3F96];
	s0 =	simm.s32 @p1 $0x1  }
0x15: {  	[smem:$0x3FB3] =	sst s0;
	s0 =	simm.s32 @!p2 $0x0  }
0x16: {  	s3 =	sld [smem:$0x3FDB];
	s0 =	simm.s32 @p2 $0x1  }
0x17: {  	s4 =	simm.s32 $0x1BF5;
	[smem:$0x3FB5] =	sst s0  }
0x18: {  	s0 =	sld [smem:$0x3F98];
	_ =	swait.ge [sflag:s4], $0x0  }
0x19: {  	s7 =	sld [smem:$0x3F99]  }
0x1a: {  	s8 =	sadd.s32 $0xFFFFE003, lr  }
0x1b: {  	s9 =	sadd.s32 $0xFFFFFEF7, lr;
	s5 =	simm.s32 $0xFFFFFFFF;
	p2 =	slt.u32 s8, $0xFFFFF086  }
0x1c: {  	p1 =	slt.u32 s9, $0xF7A;
	s5 =	simm.s32 @!p2 $0x0  }
0x1d: {  	s5 =	simm.s32 @p1 $0x1;
	p0 =	seq.s32 s7, s2  }
0x1e: {  	s7 =	smul.u32 @!p0 $0xF7A, s2;
	p2 =	seq.s32 @!p0 s5, $0x0  }
0x1f: {  	s9 =	smul.u32 $0xF7A, s1;
	s8 =	simm.s32 @!p0 $0x1BF5;
	p2 =	por !p2, p0  }
0x20: {  	[sflag:s8] =	ssyncset.s32 @!p0 $0xFFFFF086;
	s6 =	sadd.s32 @!p0 s3, s7;
	s7 =	simm.s32 @!p0 $0x108  }
0x21: {  	s3 =	sadd.s32 s3, s9;
	s6 =	sadd.s32 @!p0 $0x88, s6;
	s7 =	simm.s32 @p2 $0x1082  }
0x22: {  	[simem:s7], [sflag:s8] =	dma.local @!p0 [hbm:s6], $0xF7A  }
0x23: {  	s9 =	sor.u32 $0xD0000000, s2;
	s6 =	simm.s32 $0x108;
	_ =	swait.ge @!p0 [sflag:s8], $0x0  }
0x24: {  	s3 =	sadd.s32 $0x88, s3;
	s6 =	simm.s32 @!p1 $0x1082;
	[sflag:s4] =	ssyncset.s32 $0xFFFFF086  }
0x25: {  	[simem:s6], [sflag:s4] =	dma.local [hbm:s3], $0xF7A  }
0x26: {  	[smem:$0x3F99] =	sst s1;
	(tag) =	ssettag s2;
	_ =	strace s9  }
0x27: {  	s1 =	sld [smem:$0x3FA9]  }
0x28: {  	s2 =	sld [smem:$0x3FAA]  }
0x29: {  	s4 =	sld [smem:$0x3FAC]  }
0x2a: {  	p0 =	seq.s32 s5, $0x0;
	s5 =	sld [smem:$0x3FAD]  }
0x2b: {  	s6 =	sld [smem:$0x3FAE]  }
0x2c: {  	s7 =	sld [smem:$0x3FAF]  }
0x2d: {  	s3 =	simm.s32 $0x108;
	s8 =	sld [smem:$0x3FB0]  }
0x2e: {  	s3 =	simm.s32 @!p0 $0x1082;
	s9 =	sld [smem:$0x3FB1]  }
0x2f: {  	lr =	sadd.s32 s0, s3;
	s0 =	sld [smem:$0x3FA8]  }
0x30: {  	s3 =	sld [smem:$0x3FAB]  }
0x31: {  	[smem:$0x3FB4] =	sst s10  }
0x32: {  	s10 =	sld [smem:$0x3FB2];
	_ =	sdelay $0x3  }
0x33: {  	p0 =	seq.s32 s10, $0x1;
	s10 =	sld [smem:$0x3FB4];
	_ =	sdelay $0x3  }
0x34: {  	[smem:$0x3FB4] =	sst s10  }
0x35: {  	s10 =	sld [smem:$0x3FB3];
	_ =	sdelay $0x3  }
0x36: {  	p1 =	seq.s32 s10, $0x1;
	s10 =	sld [smem:$0x3FB4];
	_ =	sdelay $0x3  }
0x37: {  	[smem:$0x3FB4] =	sst s10  }
0x38: {  	s10 =	sld [smem:$0x3FB5]  }
0x39: {  	_ = 	snop;
	(pc) =	sbr.ind lr, $3  }
0x3a: {  	_ = 	snop  }
0x3b: {  	_ = 	snop  }
0x3c: {  	p2 =	seq.s32 s10, $0x1;
	s10 =	sld [smem:$0x3FB4]  }
0x3d: {  	_ =	shalt  }
0x3e: {  	_ =	shalt  }
0x3f: {  	_ =	shalt  }
0x40: {  	_ =	shalt  }
0x41: {  	_ =	shalt  }
0x42: {  	_ =	shalt  }
0x43: {  	_ =	shalt  }
0x44: {  	_ =	shalt  }
0x45: {  	_ =	shalt  }
0x46: {  	_ =	shalt  }
0x47: {  	_ =	shalt  }
0x48: {  	_ =	shalt  }
0x49: {  	_ =	shalt  }
0x4a: {  	_ =	shalt  }
0x4b: {  	_ =	shalt  }
0x4c: {  	_ =	shalt  }
0x4d: {  	_ =	shalt  }
0x4e: {  	_ =	shalt  }
0x4f: {  	_ =	shalt  }
0x50: {  	_ =	shalt  }
0x51: {  	_ =	shalt  }
0x52: {  	_ =	shalt  }
0x53: {  	_ =	shalt  }
0x54: {  	_ =	shalt  }
0x55: {  	_ =	shalt  }
0x56: {  	_ =	shalt  }
0x57: {  	_ =	shalt  }
0x58: {  	_ =	shalt  }
0x59: {  	_ =	shalt  }
0x5a: {  	_ =	shalt  }
0x5b: {  	_ =	shalt  }
0x5c: {  	_ =	shalt  }
0x5d: {  	_ =	shalt  }
0x5e: {  	_ =	shalt  }
0x5f: {  	_ =	shalt  }
0x60: {  	_ =	shalt  }
0x61: {  	_ =	shalt  }
0x62: {  	_ =	shalt  }
0x63: {  	_ =	shalt  }
0x64: {  	_ =	shalt  }
0x65: {  	_ =	shalt  }
0x66: {  	_ =	shalt  }
0x67: {  	_ =	shalt  }
0x68: {  	_ =	shalt  }
0x69: {  	_ =	shalt  }
0x6a: {  	_ =	shalt  }
0x6b: {  	_ =	shalt  }
0x6c: {  	_ =	shalt  }
0x6d: {  	_ =	shalt  }
0x6e: {  	_ =	shalt  }
0x6f: {  	_ =	shalt  }
0x70: {  	_ =	shalt  }
0x71: {  	_ =	shalt  }
0x72: {  	_ =	shalt  }
0x73: {  	_ =	shalt  }
0x74: {  	_ =	shalt  }
0x75: {  	_ =	shalt  }
0x76: {  	_ =	shalt  }
0x77: {  	_ =	shalt  }
0x78: {  	_ =	shalt  }
0x79: {  	_ =	shalt  }
0x7a: {  	_ =	shalt  }
0x7b: {  	_ =	shalt  }
0x7c: {  	_ =	shalt  }
0x7d: {  	_ =	shalt  }
0x7e: {  	_ =	shalt  }
0x7f: {  	_ =	shalt  }
0x80: {  	_ =	shalt  }
0x81: {  	_ =	shalt  }
0x82: {  	_ =	shalt  }
0x83: {  	_ =	shalt  }
0x84: {  	_ =	shalt  }
0x85: {  	_ =	shalt  }
0x86: {  	_ =	shalt  }
0x87: {  	_ =	shalt  }
.Lfunc_end0:
.L_simem_size_0:
called_computation_lowered:
.L_overlay_start_0:
0x88: {  	s2 =	sld [smem:$0x3FD9]  }
0x89: {  	s3 =	sld [smem:$0x3FFE];
	_ =	sdelay $0x1  }
0x8a: {  	s1 =	srdreg.scid  }
0x8b: {  	s0 =	sand.u32 $0x1, s1  }
0x8c: {  	s17 =	sshll.u32 s0, $0xA;
	s2 =	sadd.s32 s3, s2  }
0x8d: {  	s2 =	sadd.s32 s2, s17  }
0x8e: {  	[smem:$0x3FC0] =	sst s2  }
0x8f: {  	_ = 	snop  }
0x90: {  	s2 =	sld [smem:$0x3FD0];
	(tm) =	ssettm $0x1  }
0x91: {  	s18 =	sld [smem:$0x3FFB];
	_ =	sdelay $0x3  }
0x92: {  	_ =	strace s18  }
0x93: {  	s3 =	sld [smem:$0x3FFC];
	_ =	sdelay $0x3  }
0x94: {  	_ =	strace s3  }
0x95: {  	s3 =	sld [smem:$0x3FFD];
	_ =	sdelay $0x3  }
0x96: {  	_ =	strace s3  }
0x97: {  	_ =	strace $0x8FFFFFFF  }
0x98: {  	s19 =	sld [smem:$0x3FDB];
	_ =	sdelay $0x1  }
0x99: {  	s4 =	simm.s32 $_scs_section_size  }
0x9a: {  	s5 =	simm.s32 $_size__tile_overlayer_lowered;
	s6 =	simm.s32 $_tile_overlayer_lowered  }
0x9b: {  	s22 =	simm.s32 $0x1BFF;
	s21 =	sshll.u32 s6, $0x1;
	s3 =	sadd.s32 s4, s19  }
0x9c: {  	s7 =	simm.s32 $0x0;
	s20 =	sshll.u32 s5, $0x1;
	s5 =	sadd.s32 s21, s3  }
0x9d: {  	[timem:s7], [sflag:s22] =	dma.local [hbm:s5], s20  }
0x9e: {  	_ =	swait.ge [sflag:s22], s20  }
0x9f: {  	s4 =	ssub.s32 $0x0, s20;
	[sflag:s22] =	ssyncset.done $0x0  }
0xa0: {  	[sflag:s22] =	ssyncadd.s32 s4;
	_ =	sdelay $0x1  }
0xa1: {  	s23 =	simm.s32 $0x1B8B  }
0xa2: {  	_ =	swait.ge [sflag:s23], $0x1  }
0xa3: {  	[sflag:s23] =	ssyncset.done $0x0  }
0xa4: {  	s25 =	simm.s32 $0x1B8E;
	s24 =	sld [smem:$0x3FFE];
	[sflag:s23] =	ssyncadd.s32 $0xFFFFFFFF  }
0xa5: {  	s26 =	simm.s32 $execute0_lowered;
	[smem:$0x3FD2] =	sst s25  }
0xa6: {  	s5 =	sshll.u32 s26, $0x1;
	_ =	strace $0x80000046;
	[dreg:$0x1] =	wrdreg $0xFFFFFFFF  }
0xa7: {  	s28 =	simm.s32 $_size_execute0_lowered;
	s3 =	sadd.s32 s3, s5;
	[dreg:$0x0] =	wrdreg $0x0  }
0xa8: {  	s5 =	sshll.u32 s28, $0x1;
	[dreg:$0x2] =	wrdreg s3  }
0xa9: {  	[dreg:$0x3] =	wrdreg s5  }
0xaa: {  	[dreg:$0x4] =	wrdreg $0xC0  }
0xab: {  	_ =	task [dreg:s7], $0x5FFFF  }
0xac: {  	[dreg:$0x1] =	wrdreg $0xFFFFFFFF  }
0xad: {  	[dreg:$0x0] =	wrdreg $0x60  }
0xae: {  	[dreg:$0x2] =	wrdreg s24  }
0xaf: {  	[dreg:$0x3] =	wrdreg s2  }
0xb0: {  	[dreg:$0x4] =	wrdreg $0x9  }
0xb1: {  	_ =	task.clear_ibuf [dreg:s7], $0x5FFFF;
	_ =	strace $0x90000046  }
0xb2: {  	s29 =	simm.s32 $0x9;
	_ =	strace $0x80000048  }
0xb3: {  	_ =	swait.ge [sflag:s29], $0x1  }
0xb4: {  	[sflag:s29] =	ssyncadd.s32 $0xFFFFFFFF  }
0xb5: {  	_ =	strace $0x90000048  }
0xb6: {  	_ =	sfence  }
0xb7: {  	s30 =	sld [smem:$0x0];
	_ =	sdelay $0x2  }
0xb8: {  	s31 =	sshll.u32 s1, $0xD;
	s1 =	sshrl.u32 s1, $0x2  }
0xb9: {  	s3 =	sand.u32 $0x4000, s31;
	s1 =	sadd.s32 s1, s30  }
0xba: {  	s0 =	sor.u32 s3, s0;
	s1 =	sshll.u32 s1, $0x11  }
0xbb: {  	s0 =	sor.u32 s1, s0  }
0xbc: {  	s0 =	sadd.s32 $0x8F2B, s0  }
0xbd: {  	[sflag:s0] =	ssyncadd.remote.s32 $0x1  }
0xbe: {  	_ =	sfence.sel $0xFFFF  }
0xbf: {  	[dreg:$0x0] =	wrdreg $0xFFFFFFFF;
	(pc) =	sbr.abs _section_cstart, $3  }
0xc0: {  	[dreg:$0x1] =	wrdreg $0xFFFFFFFF  }
0xc1: {  	_ =	task.clear_ibuf [dreg:s7], $0x2FFFF;
	_ =	strace $0x9FFFFFFF  }
0xc2: {  	(tm) =	ssettm $0x7FFFFFFF  }
0xc3: {  	_ =	shalt  }
tec
execute0_lowered:
.L_overlay_start_1:
0x0: {  	(tag) =	ssettag $0x1  }
0x1: {  	s5 =	rddreg [dreg:$0x0]  }
0x2: {  	s1 =	rddreg [dreg:$0x1]  }
0x3: {  	s0 =	rddreg [dreg:$0x2]  }
0x4: {  	s2 =	simm.s32 $0x0;
	s3 =	srdreg.scid;
	s9 =	simm.s32 $0x880  }
0x5: {  	s10 =	simm.s32 $0x1080;
	s11 =	simm.s32 $0x1880;
	s12 =	simm.s32 $0x2080  }
0x6: {  	s13 =	simm.s32 $0x2880;
	s14 =	simm.s32 $0x3080;
	s15 =	simm.s32 $0x3880  }
0x7: {  	s16 =	simm.s32 $0x4080;
	s17 =	simm.s32 $0x4880;
	s18 =	simm.s32 $0x5080  }
0x8: {  	s19 =	simm.s32 $0x5880;
	s20 =	simm.s32 $0x6080;
	s21 =	simm.s32 $0x6880  }
0x9: {  	s22 =	simm.s32 $0x7080;
	s23 =	simm.s32 $0x7880;
	s24 =	simm.s32 $0x1  }
0xa: {  	s25 =	simm.s32 $0x0;
	[smem:$0x7FF] =	sst s2;
	s6 =	sand.u32 $0x1, s3  }
0xb: {  	s4 =	sadd.s32 $0x2200, s5;
	s3 =	stileid.u32;
	s7 =	ssub.s32 $0x2, s6  }
0xc: {  	v2 =	vlaneseq.u32;
	s5 =	sadd.s32 $0x30F600, s5;
	_ =	strace $0x80000047;
	s8 =	sshrl.u32 s7, $0x1  }
0xd: {  	vm0 =	vmmov $0xffff;
	v1 =	vshrl.u32 v2, $0x3;
	s31 =	sshll.u32 s3, $0x9;
	s6 =	sshll.u32 s6, $0x8;
	s7 =	ssub.s32 s7, s8  }
0xe: {  	v0 =	vand.u32 $0x7, v2;
	v2 =	vor.u32 $0x8, v2;
	v1 =	vmul.u32 $0x8, v1;
	s6 =	sor.u32 s6, s31;
	s8 =	simm.s32 $0x2;
	s7 =	smax.u32 s7, $0x1  }
.LBB2_1:
0xf: {  	p0 =	por $0x1, $0x1;
	s28 =	simm.s32 $0x0  }
.LBB2_2:
0x10: {  	s26 =	sor.u32 s6, s28  }
0x11: {  	s28 =	sshrl.u32 s26, $0x3  }
0x12: {  	s28 =	sadd.s32 s5, s28  }
0x13: {  	[tilespmem:s2], [sflag:$0x2] =	stream.linear.gather [hbm4b:s28+s2], $0x80, $0x38;
	[tilespmem:$0x8080] =	vst v63  }
0x14: {  	_ =	swait.ge [sflag:s8], $0x80  }
0x15: {  	[sflag:s8] =	ssyncset.done $0x0  }
0x16: {  	[sflag:s8] =	ssyncadd.s32 $0xFFFFFF80  }
0x17: {  	v3 =	vld [tilespmem:$0x0];
	_ =	sdelay $0x4  }
0x18: {  	v4 =	vshll.u32 v3, $0x1  }
0x19: {  	v3 =	vand.u32 $0x7, v3;
	v4 =	vand.u32 $0xFFFFFFF0, v4  }
0x1a: {  	v3 =	vor.u32 v3, v4  }
0x1b: {  	v4 =	vperm.xlane v3, v0;
	_ =	sdelay $0x1  }
0x1c: {  	v3 =	vperm.xlane v3, v2;
	v4 =	vadd.s32 v1, v4;
	_ =	sdelay $0x1  }
0x1d: {  	v3 =	vadd.s32 v1, v3;
	_ =	sdelay $0x1  }
0x1e: {  	s28 =	simm.s32 $0x80  }
0x1f: {  	[tilespmem:s28], [sflag:$0x1] =	stream.indirect_vreg.gather [hbm4b:s4+s2], $0x80, v4, vm0, $0xb8;
	[tilespmem:$0x8080] =	vst v63  }
0x20: {  	_ = 	snop  }
0x21: {  	[tilespmem:s9], [sflag:$0x1] =	stream.indirect_vreg.gather [hbm4b:s4+s2], $0x80, v3, vm0, $0xb8;
	[tilespmem:$0x8080] =	vst v63  }
0x22: {  	v3 =	vld [tilespmem:$0x10];
	_ =	sdelay $0x4  }
0x23: {  	v57 =	vshll.u32 v3, $0x1  }
0x24: {  	v3 =	vand.u32 $0x7, v3;
	v4 =	vand.u32 $0xFFFFFFF0, v57  }
0x25: {  	v3 =	vor.u32 v3, v4  }
0x26: {  	v4 =	vperm.xlane v3, v0;
	_ =	sdelay $0x1  }
0x27: {  	v3 =	vperm.xlane v3, v2;
	v4 =	vadd.s32 v1, v4;
	_ =	sdelay $0x1  }
0x28: {  	v3 =	vadd.s32 v1, v3;
	_ =	sdelay $0x2  }
0x29: {  	[tilespmem:s10], [sflag:$0x1] =	stream.indirect_vreg.gather [hbm4b:s4+s2], $0x80, v4, vm0, $0xb8;
	[tilespmem:$0x8080] =	vst v63  }
0x2a: {  	_ = 	snop  }
0x2b: {  	[tilespmem:s11], [sflag:$0x1] =	stream.indirect_vreg.gather [hbm4b:s4+s2], $0x80, v3, vm0, $0xb8;
	[tilespmem:$0x8080] =	vst v63  }
0x2c: {  	v3 =	vld [tilespmem:$0x20];
	_ =	sdelay $0x4  }
0x2d: {  	v58 =	vshll.u32 v3, $0x1  }
0x2e: {  	v3 =	vand.u32 $0x7, v3;
	v4 =	vand.u32 $0xFFFFFFF0, v58  }
0x2f: {  	v3 =	vor.u32 v3, v4  }
0x30: {  	v4 =	vperm.xlane v3, v0;
	_ =	sdelay $0x1  }
0x31: {  	v3 =	vperm.xlane v3, v2;
	v4 =	vadd.s32 v1, v4;
	_ =	sdelay $0x1  }
0x32: {  	v3 =	vadd.s32 v1, v3;
	_ =	sdelay $0x2  }
0x33: {  	[tilespmem:s12], [sflag:$0x1] =	stream.indirect_vreg.gather [hbm4b:s4+s2], $0x80, v4, vm0, $0xb8;
	[tilespmem:$0x8080] =	vst v63  }
0x34: {  	_ = 	snop  }
0x35: {  	[tilespmem:s13], [sflag:$0x1] =	stream.indirect_vreg.gather [hbm4b:s4+s2], $0x80, v3, vm0, $0xb8;
	[tilespmem:$0x8080] =	vst v63  }
0x36: {  	v3 =	vld [tilespmem:$0x30];
	_ =	sdelay $0x4  }
0x37: {  	v59 =	vshll.u32 v3, $0x1  }
0x38: {  	v3 =	vand.u32 $0x7, v3;
	v4 =	vand.u32 $0xFFFFFFF0, v59  }
0x39: {  	v3 =	vor.u32 v3, v4  }
0x3a: {  	v4 =	vperm.xlane v3, v0;
	_ =	sdelay $0x1  }
0x3b: {  	v3 =	vperm.xlane v3, v2;
	v4 =	vadd.s32 v1, v4;
	_ =	sdelay $0x1  }
0x3c: {  	v3 =	vadd.s32 v1, v3;
	_ =	sdelay $0x2  }
0x3d: {  	[tilespmem:s14], [sflag:$0x1] =	stream.indirect_vreg.gather [hbm4b:s4+s2], $0x80, v4, vm0, $0xb8;
	[tilespmem:$0x8080] =	vst v63  }
0x3e: {  	_ = 	snop  }
0x3f: {  	[tilespmem:s15], [sflag:$0x1] =	stream.indirect_vreg.gather [hbm4b:s4+s2], $0x80, v3, vm0, $0xb8;
	[tilespmem:$0x8080] =	vst v63  }
0x40: {  	v3 =	vld [tilespmem:$0x40];
	_ =	sdelay $0x4  }
0x41: {  	v60 =	vshll.u32 v3, $0x1  }
0x42: {  	v3 =	vand.u32 $0x7, v3;
	v4 =	vand.u32 $0xFFFFFFF0, v60  }
0x43: {  	v3 =	vor.u32 v3, v4  }
0x44: {  	v4 =	vperm.xlane v3, v0;
	_ =	sdelay $0x1  }
0x45: {  	v3 =	vperm.xlane v3, v2;
	v4 =	vadd.s32 v1, v4;
	_ =	sdelay $0x1  }
0x46: {  	v3 =	vadd.s32 v1, v3;
	_ =	sdelay $0x2  }
0x47: {  	[tilespmem:s16], [sflag:$0x1] =	stream.indirect_vreg.gather [hbm4b:s4+s2], $0x80, v4, vm0, $0xb8;
	[tilespmem:$0x8080] =	vst v63  }
0x48: {  	_ = 	snop  }
0x49: {  	[tilespmem:s17], [sflag:$0x1] =	stream.indirect_vreg.gather [hbm4b:s4+s2], $0x80, v3, vm0, $0xb8;
	[tilespmem:$0x8080] =	vst v63  }
0x4a: {  	v3 =	vld [tilespmem:$0x50];
	_ =	sdelay $0x4  }
0x4b: {  	v61 =	vshll.u32 v3, $0x1  }
0x4c: {  	v3 =	vand.u32 $0x7, v3;
	v4 =	vand.u32 $0xFFFFFFF0, v61  }
0x4d: {  	v3 =	vor.u32 v3, v4  }
0x4e: {  	v4 =	vperm.xlane v3, v0;
	_ =	sdelay $0x1  }
0x4f: {  	v3 =	vperm.xlane v3, v2;
	v4 =	vadd.s32 v1, v4;
	_ =	sdelay $0x1  }
0x50: {  	v3 =	vadd.s32 v1, v3;
	_ =	sdelay $0x2  }
0x51: {  	[tilespmem:s18], [sflag:$0x1] =	stream.indirect_vreg.gather [hbm4b:s4+s2], $0x80, v4, vm0, $0xb8;
	[tilespmem:$0x8080] =	vst v63  }
0x52: {  	_ = 	snop  }
0x53: {  	[tilespmem:s19], [sflag:$0x1] =	stream.indirect_vreg.gather [hbm4b:s4+s2], $0x80, v3, vm0, $0xb8;
	[tilespmem:$0x8080] =	vst v63  }
0x54: {  	v3 =	vld [tilespmem:$0x60];
	_ =	sdelay $0x4  }
0x55: {  	v62 =	vshll.u32 v3, $0x1  }
0x56: {  	v3 =	vand.u32 $0x7, v3;
	v4 =	vand.u32 $0xFFFFFFF0, v62  }
0x57: {  	v3 =	vor.u32 v3, v4  }
0x58: {  	v4 =	vperm.xlane v3, v0;
	_ =	sdelay $0x1  }
0x59: {  	v3 =	vperm.xlane v3, v2;
	v4 =	vadd.s32 v1, v4;
	_ =	sdelay $0x1  }
0x5a: {  	v3 =	vadd.s32 v1, v3;
	_ =	sdelay $0x2  }
0x5b: {  	[tilespmem:s20], [sflag:$0x1] =	stream.indirect_vreg.gather [hbm4b:s4+s2], $0x80, v4, vm0, $0xb8;
	[tilespmem:$0x8080] =	vst v63  }
0x5c: {  	_ = 	snop  }
0x5d: {  	[tilespmem:s21], [sflag:$0x1] =	stream.indirect_vreg.gather [hbm4b:s4+s2], $0x80, v3, vm0, $0xb8;
	[tilespmem:$0x8080] =	vst v63  }
0x5e: {  	v3 =	vld [tilespmem:$0x70];
	_ =	sdelay $0x4  }
0x5f: {  	v63 =	vshll.u32 v3, $0x1  }
0x60: {  	v3 =	vand.u32 $0x7, v3;
	v4 =	vand.u32 $0xFFFFFFF0, v63  }
0x61: {  	v3 =	vor.u32 v3, v4  }
0x62: {  	v4 =	vperm.xlane v3, v0;
	_ =	sdelay $0x1  }
0x63: {  	v3 =	vperm.xlane v3, v2;
	v4 =	vadd.s32 v1, v4;
	_ =	sdelay $0x1  }
0x64: {  	v3 =	vadd.s32 v1, v3;
	_ =	sdelay $0x2  }
0x65: {  	[tilespmem:s22], [sflag:$0x1] =	stream.indirect_vreg.gather [hbm4b:s4+s2], $0x80, v4, vm0, $0xb8;
	[tilespmem:$0x8080] =	vst v63  }
0x66: {  	_ = 	snop  }
0x67: {  	[tilespmem:s23], [sflag:$0x1] =	stream.indirect_vreg.gather [hbm4b:s4+s2], $0x80, v3, vm0, $0xb8;
	[tilespmem:$0x8080] =	vst v63  }
0x68: {  	_ =	swait.ge [sflag:s24], $0x8000  }
0x69: {  	p1 =	por p0, p0;
	s26 =	sshll.u32 s26, $0x5;
	[sflag:s24] =	ssyncset.done $0x0  }
.Ltmp0:
0x6a: {  	s26 =	sadd.s32 s1, s26;
	[sflag:s24] =	ssyncadd.s32 $0xFFFF8000;
	(pc) =	sbr.rel @p1 .LBB2_2-.Ltmp0, $4  }
0x6b: {  	[hbm4b:s26+s2] =	stream.linear.scatter [tilespmem:s28], [sflag:$0x2], $0x8000, $0x38;
	[tilespmem:$0x8080] =	vst v63  }
0x6c: {  	_ =	swait.ge [sflag:s8], $0x8000  }
0x6d: {  	[sflag:s8] =	ssyncset.done $0x0  }
0x6e: {  	p0 =	por $0x0, $0x0;
	[sflag:s8] =	ssyncadd.s32 $0xFFFF8000  }
0x6f: {  	s25 =	sadd.s32 $0x1, s25  }
0x70: {  	p0 =	sne.s32 s25, s7  }
.Ltmp1:
0x71: {  	_ = 	snop;
	(pc) =	sbr.rel @p0 .LBB2_1-.Ltmp1, $1  }
0x72: {  	_ =	sdelay $0x3  }
0x73: {  	_ =	sfence.sel $0x180000  }
0x74: {  	[bflag:$0x0] =	sbarrier.arrive $0xFFFF  }
0x75: {  	p0 =	sne.s32 s3, $0x0;
	_ =	strace $0x90000047  }
0x76: {  	s0 =	sadd.s32 @!p0 $0x100000, s0;
	[bflag:$0x2] =	sbarrier.arrive $0xFFFF  }
0x77: {  	[sflag:s0] =	ssyncadd.tile.s32 @!p0 $0x1;
	_ =	shalt  }
.Lfunc_end2:
_tile_overlayer_lowered:
.L_overlay_start_2:
0x78: {  	(tag) =	ssettag $0x2  }
0x79: {  	s0 =	rddreg [dreg:$0x0];
	s2 =	stileid.u32  }
0x7a: {  	s1 =	rddreg [dreg:$0x1];
	p0 =	sne.s32 s2, $0x0  }
0x7b: {  	s3 =	rddreg [dreg:$0x2];
	[bflag:$0x3] =	sbarrier.arrive $0xFFFF;
	s2 =	simm.s32 @!p0 $0x1C02  }
0x7c: {  	[timem:s3], [sflag:s2] =	dma.local @!p0 [hbm:s0], s1  }
0x7d: {  	s0 =	simm.s32 @!p0 $0x2  }
0x7e: {  	_ =	swait.ge @!p0 [sflag:s0], s1  }
0x7f: {  	s1 =	ssub.s32 @!p0 $0x0, s1;
	[sflag:s0] =	ssyncset.done @!p0 $0x0  }
0x80: {  	[sflag:s0] =	ssyncadd.s32 @!p0 s1  }
0x81: {  	[bflag:$0x3] =	sbarrier.arrive $0xFFFF  }
0x82: {  	_ =	shalt  }

// kernel: kernel.16.cloned.1.call-start
scs
__scs_entry_jumppad:
0x0: {  	(pc) =	sbr.rel $0x88, $3  }
0x1: {  	(tag) =	ssettag $0x0;
	lr =	simm.s32 $0x1  }
0x2: {  	[smem:$0x3F99] =	sst lr;
	_ =	strace $0xD0000000  }
0x3: {  	_ = 	snop  }
0x4: {  	_ = 	snop  }
0x5: {  	_ = 	snop  }
0x6: {  	_ = 	snop  }
0x7: {  	_ = 	snop  }
__scs_overlays_trampoline_lowered:
0x8: {  	[smem:$0x3FA8] =	sst s0  }
0x9: {  	[smem:$0x3FA9] =	sst s1  }
0xa: {  	[smem:$0x3FAA] =	sst s2  }
0xb: {  	[smem:$0x3FAB] =	sst s3  }
0xc: {  	[smem:$0x3FAC] =	sst s4  }
0xd: {  	[smem:$0x3FAD] =	sst s5  }
0xe: {  	[smem:$0x3FAE] =	sst s6  }
0xf: {  	[smem:$0x3FAF] =	sst s7  }
0x10: {  	[smem:$0x3FB0] =	sst s8  }
0x11: {  	[smem:$0x3FB1] =	sst s9;
	s0 =	simm.s32 @!p0 $0x0  }
0x12: {  	s1 =	sld [smem:$0x3F97];
	s0 =	simm.s32 @p0 $0x1  }
0x13: {  	[smem:$0x3FB2] =	sst s0;
	s0 =	simm.s32 @!p1 $0x0  }
0x14: {  	s2 =	sld [smem:$0x3F96];
	s0 =	simm.s32 @p1 $0x1  }
0x15: {  	[smem:$0x3FB3] =	sst s0;
	s0 =	simm.s32 @!p2 $0x0  }
0x16: {  	s3 =	sld [smem:$0x3FDB];
	s0 =	simm.s32 @p2 $0x1  }
0x17: {  	s4 =	simm.s32 $0x1BF5;
	[smem:$0x3FB5] =	sst s0  }
0x18: {  	s0 =	sld [smem:$0x3F98];
	_ =	swait.ge [sflag:s4], $0x0  }
0x19: {  	s7 =	sld [smem:$0x3F99]  }
0x1a: {  	s8 =	sadd.s32 $0xFFFFE003, lr  }
0x1b: {  	s9 =	sadd.s32 $0xFFFFFEF7, lr;
	s5 =	simm.s32 $0xFFFFFFFF;
	p2 =	slt.u32 s8, $0xFFFFF086  }
0x1c: {  	p1 =	slt.u32 s9, $0xF7A;
	s5 =	simm.s32 @!p2 $0x0  }
0x1d: {  	s5 =	simm.s32 @p1 $0x1;
	p0 =	seq.s32 s7, s2  }
0x1e: {  	s7 =	smul.u32 @!p0 $0xF7A, s2;
	p2 =	seq.s32 @!p0 s5, $0x0  }
0x1f: {  	s9 =	smul.u32 $0xF7A, s1;
	s8 =	simm.s32 @!p0 $0x1BF5;
	p2 =	por !p2, p0  }
0x20: {  	[sflag:s8] =	ssyncset.s32 @!p0 $0xFFFFF086;
	s6 =	sadd.s32 @!p0 s3, s7;
	s7 =	simm.s32 @!p0 $0x108  }
0x21: {  	s3 =	sadd.s32 s3, s9;
	s6 =	sadd.s32 @!p0 $0x88, s6;
	s7 =	simm.s32 @p2 $0x1082  }
0x22: {  	[simem:s7], [sflag:s8] =	dma.local @!p0 [hbm:s6], $0xF7A  }
0x23: {  	s9 =	sor.u32 $0xD0000000, s2;
	s6 =	simm.s32 $0x108;
	_ =	swait.ge @!p0 [sflag:s8], $0x0  }
0x24: {  	s3 =	sadd.s32 $0x88, s3;
	s6 =	simm.s32 @!p1 $0x1082;
	[sflag:s4] =	ssyncset.s32 $0xFFFFF086  }
0x25: {  	[simem:s6], [sflag:s4] =	dma.local [hbm:s3], $0xF7A  }
0x26: {  	[smem:$0x3F99] =	sst s1;
	(tag) =	ssettag s2;
	_ =	strace s9  }
0x27: {  	s1 =	sld [smem:$0x3FA9]  }
0x28: {  	s2 =	sld [smem:$0x3FAA]  }
0x29: {  	s4 =	sld [smem:$0x3FAC]  }
0x2a: {  	p0 =	seq.s32 s5, $0x0;
	s5 =	sld [smem:$0x3FAD]  }
0x2b: {  	s6 =	sld [smem:$0x3FAE]  }
0x2c: {  	s7 =	sld [smem:$0x3FAF]  }
0x2d: {  	s3 =	simm.s32 $0x108;
	s8 =	sld [smem:$0x3FB0]  }
0x2e: {  	s3 =	simm.s32 @!p0 $0x1082;
	s9 =	sld [smem:$0x3FB1]  }
0x2f: {  	lr =	sadd.s32 s0, s3;
	s0 =	sld [smem:$0x3FA8]  }
0x30: {  	s3 =	sld [smem:$0x3FAB]  }
0x31: {  	[smem:$0x3FB4] =	sst s10  }
0x32: {  	s10 =	sld [smem:$0x3FB2];
	_ =	sdelay $0x3  }
0x33: {  	p0 =	seq.s32 s10, $0x1;
	s10 =	sld [smem:$0x3FB4];
	_ =	sdelay $0x3  }
0x34: {  	[smem:$0x3FB4] =	sst s10  }
0x35: {  	s10 =	sld [smem:$0x3FB3];
	_ =	sdelay $0x3  }
0x36: {  	p1 =	seq.s32 s10, $0x1;
	s10 =	sld [smem:$0x3FB4];
	_ =	sdelay $0x3  }
0x37: {  	[smem:$0x3FB4] =	sst s10  }
0x38: {  	s10 =	sld [smem:$0x3FB5]  }
0x39: {  	_ = 	snop;
	(pc) =	sbr.ind lr, $3  }
0x3a: {  	_ = 	snop  }
0x3b: {  	_ = 	snop  }
0x3c: {  	p2 =	seq.s32 s10, $0x1;
	s10 =	sld [smem:$0x3FB4]  }
0x3d: {  	_ =	shalt  }
0x3e: {  	_ =	shalt  }
0x3f: {  	_ =	shalt  }
0x40: {  	_ =	shalt  }
0x41: {  	_ =	shalt  }
0x42: {  	_ =	shalt  }
0x43: {  	_ =	shalt  }
0x44: {  	_ =	shalt  }
0x45: {  	_ =	shalt  }
0x46: {  	_ =	shalt  }
0x47: {  	_ =	shalt  }
0x48: {  	_ =	shalt  }
0x49: {  	_ =	shalt  }
0x4a: {  	_ =	shalt  }
0x4b: {  	_ =	shalt  }
0x4c: {  	_ =	shalt  }
0x4d: {  	_ =	shalt  }
0x4e: {  	_ =	shalt  }
0x4f: {  	_ =	shalt  }
0x50: {  	_ =	shalt  }
0x51: {  	_ =	shalt  }
0x52: {  	_ =	shalt  }
0x53: {  	_ =	shalt  }
0x54: {  	_ =	shalt  }
0x55: {  	_ =	shalt  }
0x56: {  	_ =	shalt  }
0x57: {  	_ =	shalt  }
0x58: {  	_ =	shalt  }
0x59: {  	_ =	shalt  }
0x5a: {  	_ =	shalt  }
0x5b: {  	_ =	shalt  }
0x5c: {  	_ =	shalt  }
0x5d: {  	_ =	shalt  }
0x5e: {  	_ =	shalt  }
0x5f: {  	_ =	shalt  }
0x60: {  	_ =	shalt  }
0x61: {  	_ =	shalt  }
0x62: {  	_ =	shalt  }
0x63: {  	_ =	shalt  }
0x64: {  	_ =	shalt  }
0x65: {  	_ =	shalt  }
0x66: {  	_ =	shalt  }
0x67: {  	_ =	shalt  }
0x68: {  	_ =	shalt  }
0x69: {  	_ =	shalt  }
0x6a: {  	_ =	shalt  }
0x6b: {  	_ =	shalt  }
0x6c: {  	_ =	shalt  }
0x6d: {  	_ =	shalt  }
0x6e: {  	_ =	shalt  }
0x6f: {  	_ =	shalt  }
0x70: {  	_ =	shalt  }
0x71: {  	_ =	shalt  }
0x72: {  	_ =	shalt  }
0x73: {  	_ =	shalt  }
0x74: {  	_ =	shalt  }
0x75: {  	_ =	shalt  }
0x76: {  	_ =	shalt  }
0x77: {  	_ =	shalt  }
0x78: {  	_ =	shalt  }
0x79: {  	_ =	shalt  }
0x7a: {  	_ =	shalt  }
0x7b: {  	_ =	shalt  }
0x7c: {  	_ =	shalt  }
0x7d: {  	_ =	shalt  }
0x7e: {  	_ =	shalt  }
0x7f: {  	_ =	shalt  }
0x80: {  	_ =	shalt  }
0x81: {  	_ =	shalt  }
0x82: {  	_ =	shalt  }
0x83: {  	_ =	shalt  }
0x84: {  	_ =	shalt  }
0x85: {  	_ =	shalt  }
0x86: {  	_ =	shalt  }
0x87: {  	_ =	shalt  }
.Lfunc_end0:
.L_simem_size_0:
called_computation.1_lowered:
.L_overlay_start_0:
0x88: {  	s2 =	sld [smem:$0x3FD9]  }
0x89: {  	s3 =	sld [smem:$0x3FFE];
	_ =	sdelay $0x1  }
0x8a: {  	s1 =	srdreg.scid  }
0x8b: {  	s0 =	sand.u32 $0x1, s1  }
0x8c: {  	s17 =	sshll.u32 s0, $0xA;
	s2 =	sadd.s32 s3, s2  }
0x8d: {  	s2 =	sadd.s32 s2, s17  }
0x8e: {  	[smem:$0x3FC0] =	sst s2  }
0x8f: {  	_ = 	snop  }
0x90: {  	(tm) =	ssettm $0x1  }
0x91: {  	s18 =	sld [smem:$0x3FFB];
	_ =	sdelay $0x3  }
0x92: {  	_ =	strace s18  }
0x93: {  	s2 =	sld [smem:$0x3FFC];
	_ =	sdelay $0x3  }
0x94: {  	_ =	strace s2  }
0x95: {  	s2 =	sld [smem:$0x3FFD];
	_ =	sdelay $0x3  }
0x96: {  	_ =	strace s2  }
0x97: {  	_ =	strace $0x8FFFFFFF  }
0x98: {  	s19 =	sld [smem:$0x3FDB];
	_ =	sdelay $0x1  }
0x99: {  	s20 =	simm.s32 $_scs_section_size  }
0x9a: {  	s4 =	simm.s32 $_size__tile_overlayer_lowered;
	s5 =	simm.s32 $_tile_overlayer_lowered  }
0x9b: {  	s6 =	simm.s32 $0x1BFF;
	s21 =	sshll.u32 s5, $0x1;
	s3 =	sadd.s32 s20, s19  }
0x9c: {  	s22 =	simm.s32 $0x0;
	s4 =	sshll.u32 s4, $0x1;
	s5 =	sadd.s32 s21, s3  }
0x9d: {  	[timem:s22], [sflag:s6] =	dma.local [hbm:s5], s4  }
0x9e: {  	_ =	swait.ge [sflag:s6], s4  }
0x9f: {  	s4 =	ssub.s32 $0x0, s4;
	[sflag:s6] =	ssyncset.done $0x0  }
0xa0: {  	[sflag:s6] =	ssyncadd.s32 s4;
	_ =	sdelay $0x1  }
0xa1: {  	s23 =	simm.s32 $0x1B8B  }
0xa2: {  	_ =	swait.ge [sflag:s23], $0x1  }
0xa3: {  	[sflag:s23] =	ssyncset.done $0x0  }
0xa4: {  	[sflag:s23] =	ssyncadd.s32 $0xFFFFFFFF  }
0xa5: {  	s4 =	sld [smem:$0x0]  }
0xa6: {  	s5 =	sand.u32 $0xFFFFFFFE, s1  }
0xa7: {  	p0 =	sne.s32 s1, s5  }
0xa8: {  	s5 =	sshll.u32 @p0 s5, $0xE  }
0xa9: {  	s5 =	sadd.s32 @p0 $0x11B8D, s5;
	s6 =	sshll.u32 @p0 s4, $0x11  }
0xaa: {  	s5 =	sor.u32 @p0 s6, s5  }
0xab: {  	[sflag:s5] =	ssyncadd.remote.s32 @p0 $0x1;
	_ =	sdelay $0x1  }
0xac: {  	s5 =	simm.s32 @p0 $0x1B8D  }
0xad: {  	_ =	swait.eq @p0 [sflag:s5], $0x1  }
0xae: {  	[sflag:s5] =	ssyncadd.s32 @p0 $0xFFFFFFFF  }
0xaf: {  	s6 =	sshll.u32 @!p0 s1, $0xE  }
0xb0: {  	s6 =	sor.u32 @!p0 $0x4000, s6;
	s5 =	simm.s32 @!p0 $0x1B8D  }
0xb1: {  	s4 =	sshll.u32 @!p0 s4, $0x11;
	s6 =	sadd.s32 @!p0 $0x11B8D, s6;
	_ =	swait.eq @!p0 [sflag:s5], $0x1  }
0xb2: {  	s4 =	sor.u32 @!p0 s4, s6;
	[sflag:s5] =	ssyncadd.s32 @!p0 $0xFFFFFFFF  }
0xb3: {  	s25 =	simm.s32 $0x1B8E;
	s24 =	sld [smem:$0x3FFE];
	[sflag:s4] =	ssyncadd.remote.s32 @!p0 $0x1  }
0xb4: {  	s26 =	simm.s32 $execute0_lowered;
	[smem:$0x3FD2] =	sst s25  }
0xb5: {  	s5 =	sshll.u32 s26, $0x1;
	_ =	strace $0x80000049;
	[dreg:$0x1] =	wrdreg $0xFFFFFFFF  }
0xb6: {  	s28 =	simm.s32 $_size_execute0_lowered;
	s3 =	sadd.s32 s3, s5;
	[dreg:$0x0] =	wrdreg $0x0  }
0xb7: {  	s5 =	sshll.u32 s28, $0x1;
	[dreg:$0x2] =	wrdreg s3  }
0xb8: {  	[dreg:$0x3] =	wrdreg s5  }
0xb9: {  	[dreg:$0x4] =	wrdreg $0xC0  }
0xba: {  	_ =	task [dreg:s22], $0x5FFFF  }
0xbb: {  	[dreg:$0x1] =	wrdreg $0xFFFFFFFF  }
0xbc: {  	[dreg:$0x0] =	wrdreg $0x60  }
0xbd: {  	[dreg:$0x2] =	wrdreg s24  }
0xbe: {  	[dreg:$0x3] =	wrdreg $0xA  }
0xbf: {  	_ =	task.clear_ibuf [dreg:s22], $0x4FFFF;
	_ =	strace $0x90000049  }
0xc0: {  	s29 =	simm.s32 $0xA;
	_ =	strace $0x8000004B  }
0xc1: {  	_ =	swait.ge [sflag:s29], $0x1  }
0xc2: {  	[sflag:s29] =	ssyncadd.s32 $0xFFFFFFFF  }
0xc3: {  	_ =	strace $0x9000004B  }
0xc4: {  	_ =	sfence  }
0xc5: {  	s30 =	sld [smem:$0x0];
	_ =	sdelay $0x2  }
0xc6: {  	s31 =	sshll.u32 s1, $0xD;
	s1 =	sshrl.u32 s1, $0x2  }
0xc7: {  	s4 =	sand.u32 $0x4000, s31;
	s1 =	sadd.s32 s1, s30  }
0xc8: {  	s0 =	sor.u32 s4, s0;
	s1 =	sshll.u32 s1, $0x11  }
0xc9: {  	s0 =	sor.u32 s1, s0  }
0xca: {  	s0 =	sadd.s32 $0x8F2B, s0  }
0xcb: {  	[sflag:s0] =	ssyncadd.remote.s32 $0x1  }
0xcc: {  	_ =	sfence.sel $0xFFFF  }
0xcd: {  	[dreg:$0x0] =	wrdreg $0xFFFFFFFF;
	(pc) =	sbr.abs _section_cstart, $3  }
0xce: {  	[dreg:$0x1] =	wrdreg $0xFFFFFFFF  }
0xcf: {  	_ =	task.clear_ibuf [dreg:s22], $0x2FFFF;
	_ =	strace $0x9FFFFFFF  }
0xd0: {  	(tm) =	ssettm $0x7FFFFFFF  }
0xd1: {  	_ =	shalt  }
tec
execute0_lowered:
.L_overlay_start_1:
0x0: {  	(tag) =	ssettag $0x1  }
0x1: {  	s4 =	rddreg [dreg:$0x0]  }
0x2: {  	s0 =	rddreg [dreg:$0x1];
	s2 =	simm.s32 $0x0;
	s3 =	srdreg.scid  }
0x3: {  	s1 =	stileid.u32;
	s10 =	simm.s32 $0x1080;
	s11 =	simm.s32 $0x1880  }
0x4: {  	s12 =	simm.s32 $0x2080;
	s13 =	simm.s32 $0x2880;
	s14 =	simm.s32 $0x3080  }
0x5: {  	s15 =	simm.s32 $0x3880;
	s16 =	simm.s32 $0x4080;
	s17 =	simm.s32 $0x4880  }
0x6: {  	s18 =	simm.s32 $0x5080;
	s19 =	simm.s32 $0x5880;
	s20 =	simm.s32 $0x6080  }
0x7: {  	s21 =	simm.s32 $0x6880;
	s22 =	simm.s32 $0x7080;
	s23 =	simm.s32 $0x7880  }
0x8: {  	s24 =	simm.s32 $0x1;
	s25 =	simm.s32 $0x0;
	s6 =	smul.u32 $0xC00, s1  }
0x9: {  	[smem:$0x7FF] =	sst s2;
	s5 =	sand.u32 $0x1, s3;
	s8 =	smul.u32 $0x18000, s1  }
0xa: {  	s3 =	sadd.s32 $0x2200, s4;
	s7 =	smul.u32 $0x600, s5;
	s9 =	ssub.s32 $0x2, s5  }
0xb: {  	_ =	strace $0x8000004A;
	s5 =	smul.u32 $0xC000, s5;
	s31 =	sshrl.u32 s9, $0x1  }
0xc: {  	s8 =	sadd.s32 s8, s4;
	s6 =	sadd.s32 s7, s6;
	s7 =	ssub.s32 s9, s31  }
0xd: {  	v2 =	vlaneseq.u32;
	s5 =	sadd.s32 s5, s8;
	s8 =	simm.s32 $0x80;
	s6 =	sshrl.u32 s6, $0x3  }
0xe: {  	vm0 =	vmmov $0xffff;
	v1 =	vshrl.u32 v2, $0x3;
	s9 =	simm.s32 $0x880;
	s5 =	sadd.s32 $0x315A00, s5;
	s6 =	sadd.s32 s6, s4  }
0xf: {  	v0 =	vand.u32 $0x7, v2;
	v2 =	vor.u32 $0x8, v2;
	v1 =	vmul.u32 $0x8, v1;
	s4 =	smax.u32 s7, $0x1;
	s7 =	simm.s32 $0x2;
	s6 =	sadd.s32 $0x30FA00, s6  }
.LBB2_1:
0x10: {  	s26 =	smov.u32 s5;
	s28 =	simm.s32 $0x0  }
.LBB2_2:
0x11: {  	s29 =	sadd.s32 s28, s6  }
0x12: {  	[tilespmem:s2], [sflag:$0x2] =	stream.linear.gather [hbm4b:s29+s2], $0x80, $0x38;
	[tilespmem:$0x8080] =	vst v63  }
0x13: {  	_ =	swait.ge [sflag:s7], $0x80  }
0x14: {  	[sflag:s7] =	ssyncset.done $0x0  }
0x15: {  	[sflag:s7] =	ssyncadd.s32 $0xFFFFFF80  }
0x16: {  	v3 =	vld [tilespmem:$0x0];
	_ =	sdelay $0x4  }
0x17: {  	v4 =	vshll.u32 v3, $0x1  }
0x18: {  	v3 =	vand.u32 $0x7, v3;
	v4 =	vand.u32 $0xFFFFFFF0, v4  }
0x19: {  	v3 =	vor.u32 v3, v4  }
0x1a: {  	v4 =	vperm.xlane v3, v0;
	_ =	sdelay $0x1  }
0x1b: {  	v3 =	vperm.xlane v3, v2;
	v4 =	vadd.s32 v1, v4;
	_ =	sdelay $0x1  }
0x1c: {  	v3 =	vadd.s32 v1, v3;
	_ =	sdelay $0x2  }
0x1d: {  	[tilespmem:s8], [sflag:$0x1] =	stream.indirect_vreg.gather [hbm4b:s3+s2], $0x80, v4, vm0, $0xb8;
	[tilespmem:$0x8080] =	vst v63  }
0x1e: {  	_ = 	snop  }
0x1f: {  	[tilespmem:s9], [sflag:$0x1] =	stream.indirect_vreg.gather [hbm4b:s3+s2], $0x80, v3, vm0, $0xb8;
	[tilespmem:$0x8080] =	vst v63  }
0x20: {  	v3 =	vld [tilespmem:$0x10];
	_ =	sdelay $0x4  }
0x21: {  	v57 =	vshll.u32 v3, $0x1  }
0x22: {  	v3 =	vand.u32 $0x7, v3;
	v4 =	vand.u32 $0xFFFFFFF0, v57  }
0x23: {  	v3 =	vor.u32 v3, v4  }
0x24: {  	v4 =	vperm.xlane v3, v0;
	_ =	sdelay $0x1  }
0x25: {  	v3 =	vperm.xlane v3, v2;
	v4 =	vadd.s32 v1, v4;
	_ =	sdelay $0x1  }
0x26: {  	v3 =	vadd.s32 v1, v3;
	_ =	sdelay $0x2  }
0x27: {  	[tilespmem:s10], [sflag:$0x1] =	stream.indirect_vreg.gather [hbm4b:s3+s2], $0x80, v4, vm0, $0xb8;
	[tilespmem:$0x8080] =	vst v63  }
0x28: {  	_ = 	snop  }
0x29: {  	[tilespmem:s11], [sflag:$0x1] =	stream.indirect_vreg.gather [hbm4b:s3+s2], $0x80, v3, vm0, $0xb8;
	[tilespmem:$0x8080] =	vst v63  }
0x2a: {  	v3 =	vld [tilespmem:$0x20];
	_ =	sdelay $0x4  }
0x2b: {  	v58 =	vshll.u32 v3, $0x1  }
0x2c: {  	v3 =	vand.u32 $0x7, v3;
	v4 =	vand.u32 $0xFFFFFFF0, v58  }
0x2d: {  	v3 =	vor.u32 v3, v4  }
0x2e: {  	v4 =	vperm.xlane v3, v0;
	_ =	sdelay $0x1  }
0x2f: {  	v3 =	vperm.xlane v3, v2;
	v4 =	vadd.s32 v1, v4;
	_ =	sdelay $0x1  }
0x30: {  	v3 =	vadd.s32 v1, v3;
	_ =	sdelay $0x2  }
0x31: {  	[tilespmem:s12], [sflag:$0x1] =	stream.indirect_vreg.gather [hbm4b:s3+s2], $0x80, v4, vm0, $0xb8;
	[tilespmem:$0x8080] =	vst v63  }
0x32: {  	_ = 	snop  }
0x33: {  	[tilespmem:s13], [sflag:$0x1] =	stream.indirect_vreg.gather [hbm4b:s3+s2], $0x80, v3, vm0, $0xb8;
	[tilespmem:$0x8080] =	vst v63  }
0x34: {  	v3 =	vld [tilespmem:$0x30];
	_ =	sdelay $0x4  }
0x35: {  	v59 =	vshll.u32 v3, $0x1  }
0x36: {  	v3 =	vand.u32 $0x7, v3;
	v4 =	vand.u32 $0xFFFFFFF0, v59  }
0x37: {  	v3 =	vor.u32 v3, v4  }
0x38: {  	v4 =	vperm.xlane v3, v0;
	_ =	sdelay $0x1  }
0x39: {  	v3 =	vperm.xlane v3, v2;
	v4 =	vadd.s32 v1, v4;
	_ =	sdelay $0x1  }
0x3a: {  	v3 =	vadd.s32 v1, v3;
	_ =	sdelay $0x2  }
0x3b: {  	[tilespmem:s14], [sflag:$0x1] =	stream.indirect_vreg.gather [hbm4b:s3+s2], $0x80, v4, vm0, $0xb8;
	[tilespmem:$0x8080] =	vst v63  }
0x3c: {  	_ = 	snop  }
0x3d: {  	[tilespmem:s15], [sflag:$0x1] =	stream.indirect_vreg.gather [hbm4b:s3+s2], $0x80, v3, vm0, $0xb8;
	[tilespmem:$0x8080] =	vst v63  }
0x3e: {  	v3 =	vld [tilespmem:$0x40];
	_ =	sdelay $0x4  }
0x3f: {  	v60 =	vshll.u32 v3, $0x1  }
0x40: {  	v3 =	vand.u32 $0x7, v3;
	v4 =	vand.u32 $0xFFFFFFF0, v60  }
0x41: {  	v3 =	vor.u32 v3, v4  }
0x42: {  	v4 =	vperm.xlane v3, v0;
	_ =	sdelay $0x1  }
0x43: {  	v3 =	vperm.xlane v3, v2;
	v4 =	vadd.s32 v1, v4;
	_ =	sdelay $0x1  }
0x44: {  	v3 =	vadd.s32 v1, v3;
	_ =	sdelay $0x2  }
0x45: {  	[tilespmem:s16], [sflag:$0x1] =	stream.indirect_vreg.gather [hbm4b:s3+s2], $0x80, v4, vm0, $0xb8;
	[tilespmem:$0x8080] =	vst v63  }
0x46: {  	_ = 	snop  }
0x47: {  	[tilespmem:s17], [sflag:$0x1] =	stream.indirect_vreg.gather [hbm4b:s3+s2], $0x80, v3, vm0, $0xb8;
	[tilespmem:$0x8080] =	vst v63  }
0x48: {  	v3 =	vld [tilespmem:$0x50];
	_ =	sdelay $0x4  }
0x49: {  	v61 =	vshll.u32 v3, $0x1  }
0x4a: {  	v3 =	vand.u32 $0x7, v3;
	v4 =	vand.u32 $0xFFFFFFF0, v61  }
0x4b: {  	v3 =	vor.u32 v3, v4  }
0x4c: {  	v4 =	vperm.xlane v3, v0;
	_ =	sdelay $0x1  }
0x4d: {  	v3 =	vperm.xlane v3, v2;
	v4 =	vadd.s32 v1, v4;
	_ =	sdelay $0x1  }
0x4e: {  	v3 =	vadd.s32 v1, v3;
	_ =	sdelay $0x2  }
0x4f: {  	[tilespmem:s18], [sflag:$0x1] =	stream.indirect_vreg.gather [hbm4b:s3+s2], $0x80, v4, vm0, $0xb8;
	[tilespmem:$0x8080] =	vst v63  }
0x50: {  	_ = 	snop  }
0x51: {  	[tilespmem:s19], [sflag:$0x1] =	stream.indirect_vreg.gather [hbm4b:s3+s2], $0x80, v3, vm0, $0xb8;
	[tilespmem:$0x8080] =	vst v63  }
0x52: {  	v3 =	vld [tilespmem:$0x60];
	_ =	sdelay $0x4  }
0x53: {  	v62 =	vshll.u32 v3, $0x1  }
0x54: {  	v3 =	vand.u32 $0x7, v3;
	v4 =	vand.u32 $0xFFFFFFF0, v62  }
0x55: {  	v3 =	vor.u32 v3, v4  }
0x56: {  	v4 =	vperm.xlane v3, v0;
	_ =	sdelay $0x1  }
0x57: {  	v3 =	vperm.xlane v3, v2;
	v4 =	vadd.s32 v1, v4;
	_ =	sdelay $0x1  }
0x58: {  	v3 =	vadd.s32 v1, v3;
	_ =	sdelay $0x2  }
0x59: {  	[tilespmem:s20], [sflag:$0x1] =	stream.indirect_vreg.gather [hbm4b:s3+s2], $0x80, v4, vm0, $0xb8;
	[tilespmem:$0x8080] =	vst v63  }
0x5a: {  	_ = 	snop  }
0x5b: {  	[tilespmem:s21], [sflag:$0x1] =	stream.indirect_vreg.gather [hbm4b:s3+s2], $0x80, v3, vm0, $0xb8;
	[tilespmem:$0x8080] =	vst v63  }
0x5c: {  	v3 =	vld [tilespmem:$0x70];
	_ =	sdelay $0x4  }
0x5d: {  	v63 =	vshll.u32 v3, $0x1  }
0x5e: {  	v3 =	vand.u32 $0x7, v3;
	v4 =	vand.u32 $0xFFFFFFF0, v63  }
0x5f: {  	v3 =	vor.u32 v3, v4  }
0x60: {  	v4 =	vperm.xlane v3, v0;
	_ =	sdelay $0x1  }
0x61: {  	v3 =	vperm.xlane v3, v2;
	v4 =	vadd.s32 v1, v4;
	_ =	sdelay $0x1  }
0x62: {  	v3 =	vadd.s32 v1, v3;
	_ =	sdelay $0x2  }
0x63: {  	[tilespmem:s22], [sflag:$0x1] =	stream.indirect_vreg.gather [hbm4b:s3+s2], $0x80, v4, vm0, $0xb8;
	[tilespmem:$0x8080] =	vst v63  }
0x64: {  	_ = 	snop  }
0x65: {  	[tilespmem:s23], [sflag:$0x1] =	stream.indirect_vreg.gather [hbm4b:s3+s2], $0x80, v3, vm0, $0xb8;
	[tilespmem:$0x8080] =	vst v63  }
0x66: {  	_ =	swait.ge [sflag:s24], $0x8000  }
0x67: {  	p0 =	sne.s32 s28, $0xB0;
	[sflag:s24] =	ssyncset.done $0x0  }
.Ltmp0:
0x68: {  	[sflag:s24] =	ssyncadd.s32 $0xFFFF8000;
	(pc) =	sbr.rel @p0 .LBB2_2-.Ltmp0, $4  }
0x69: {  	[hbm4b:s26+s2] =	stream.linear.scatter [tilespmem:s8], [sflag:$0x2], $0x8000, $0x38;
	[tilespmem:$0x8080] =	vst v63  }
0x6a: {  	_ =	swait.ge [sflag:s7], $0x8000  }
0x6b: {  	[sflag:s7] =	ssyncset.done $0x0  }
0x6c: {  	s28 =	sadd.s32 $0x10, s28;
	s26 =	sadd.s32 $0x1000, s26;
	[sflag:s7] =	ssyncadd.s32 $0xFFFF8000  }
0x6d: {  	s25 =	sadd.s32 $0x1, s25  }
0x6e: {  	p0 =	sne.s32 s25, s4  }
.Ltmp1:
0x6f: {  	_ = 	snop;
	(pc) =	sbr.rel @p0 .LBB2_1-.Ltmp1, $1  }
0x70: {  	_ =	sdelay $0x3  }
0x71: {  	_ =	sfence.sel $0x180000  }
0x72: {  	[bflag:$0x0] =	sbarrier.arrive $0xFFFF  }
0x73: {  	p0 =	sne.s32 s1, $0x0;
	_ =	strace $0x9000004A  }
0x74: {  	s0 =	sadd.s32 @!p0 $0x100000, s0;
	[bflag:$0x2] =	sbarrier.arrive $0xFFFF  }
0x75: {  	[sflag:s0] =	ssyncadd.tile.s32 @!p0 $0x1;
	_ =	shalt  }
.Lfunc_end2:
_tile_overlayer_lowered:
.L_overlay_start_2:
0x76: {  	(tag) =	ssettag $0x2  }
0x77: {  	s0 =	rddreg [dreg:$0x0];
	s2 =	stileid.u32  }
0x78: {  	s1 =	rddreg [dreg:$0x1];
	p0 =	sne.s32 s2, $0x0  }
0x79: {  	s3 =	rddreg [dreg:$0x2];
	[bflag:$0x3] =	sbarrier.arrive $0xFFFF;
	s2 =	simm.s32 @!p0 $0x1C02  }
0x7a: {  	[timem:s3], [sflag:s2] =	dma.local @!p0 [hbm:s0], s1  }
0x7b: {  	s0 =	simm.s32 @!p0 $0x2  }
0x7c: {  	_ =	swait.ge @!p0 [sflag:s0], s1  }
0x7d: {  	s1 =	ssub.s32 @!p0 $0x0, s1;
	[sflag:s0] =	ssyncset.done @!p0 $0x0  }
0x7e: {  	[sflag:s0] =	ssyncadd.s32 @!p0 s1  }
0x7f: {  	[bflag:$0x3] =	sbarrier.arrive $0xFFFF  }
0x80: {  	_ =	shalt  }

// kernel: kernel.19.cloned.1.call-start
scs
__scs_entry_jumppad:
0x0: {  	(pc) =	sbr.rel $0x88, $3  }
0x1: {  	(tag) =	ssettag $0x0;
	lr =	simm.s32 $0x1  }
0x2: {  	[smem:$0x3F99] =	sst lr;
	_ =	strace $0xD0000000  }
0x3: {  	_ = 	snop  }
0x4: {  	_ = 	snop  }
0x5: {  	_ = 	snop  }
0x6: {  	_ = 	snop  }
0x7: {  	_ = 	snop  }
__scs_overlays_trampoline_lowered:
0x8: {  	[smem:$0x3FA8] =	sst s0  }
0x9: {  	[smem:$0x3FA9] =	sst s1  }
0xa: {  	[smem:$0x3FAA] =	sst s2  }
0xb: {  	[smem:$0x3FAB] =	sst s3  }
0xc: {  	[smem:$0x3FAC] =	sst s4  }
0xd: {  	[smem:$0x3FAD] =	sst s5  }
0xe: {  	[smem:$0x3FAE] =	sst s6  }
0xf: {  	[smem:$0x3FAF] =	sst s7  }
0x10: {  	[smem:$0x3FB0] =	sst s8  }
0x11: {  	[smem:$0x3FB1] =	sst s9;
	s0 =	simm.s32 @!p0 $0x0  }
0x12: {  	s1 =	sld [smem:$0x3F97];
	s0 =	simm.s32 @p0 $0x1  }
0x13: {  	[smem:$0x3FB2] =	sst s0;
	s0 =	simm.s32 @!p1 $0x0  }
0x14: {  	s2 =	sld [smem:$0x3F96];
	s0 =	simm.s32 @p1 $0x1  }
0x15: {  	[smem:$0x3FB3] =	sst s0;
	s0 =	simm.s32 @!p2 $0x0  }
0x16: {  	s3 =	sld [smem:$0x3FDB];
	s0 =	simm.s32 @p2 $0x1  }
0x17: {  	s4 =	simm.s32 $0x1BF5;
	[smem:$0x3FB5] =	sst s0  }
0x18: {  	s0 =	sld [smem:$0x3F98];
	_ =	swait.ge [sflag:s4], $0x0  }
0x19: {  	s7 =	sld [smem:$0x3F99]  }
0x1a: {  	s8 =	sadd.s32 $0xFFFFE003, lr  }
0x1b: {  	s9 =	sadd.s32 $0xFFFFFEF7, lr;
	s5 =	simm.s32 $0xFFFFFFFF;
	p2 =	slt.u32 s8, $0xFFFFF086  }
0x1c: {  	p1 =	slt.u32 s9, $0xF7A;
	s5 =	simm.s32 @!p2 $0x0  }
0x1d: {  	s5 =	simm.s32 @p1 $0x1;
	p0 =	seq.s32 s7, s2  }
0x1e: {  	s7 =	smul.u32 @!p0 $0xF7A, s2;
	p2 =	seq.s32 @!p0 s5, $0x0  }
0x1f: {  	s9 =	smul.u32 $0xF7A, s1;
	s8 =	simm.s32 @!p0 $0x1BF5;
	p2 =	por !p2, p0  }
0x20: {  	[sflag:s8] =	ssyncset.s32 @!p0 $0xFFFFF086;
	s6 =	sadd.s32 @!p0 s3, s7;
	s7 =	simm.s32 @!p0 $0x108  }
0x21: {  	s3 =	sadd.s32 s3, s9;
	s6 =	sadd.s32 @!p0 $0x88, s6;
	s7 =	simm.s32 @p2 $0x1082  }
0x22: {  	[simem:s7], [sflag:s8] =	dma.local @!p0 [hbm:s6], $0xF7A  }
0x23: {  	s9 =	sor.u32 $0xD0000000, s2;
	s6 =	simm.s32 $0x108;
	_ =	swait.ge @!p0 [sflag:s8], $0x0  }
0x24: {  	s3 =	sadd.s32 $0x88, s3;
	s6 =	simm.s32 @!p1 $0x1082;
	[sflag:s4] =	ssyncset.s32 $0xFFFFF086  }
0x25: {  	[simem:s6], [sflag:s4] =	dma.local [hbm:s3], $0xF7A  }
0x26: {  	[smem:$0x3F99] =	sst s1;
	(tag) =	ssettag s2;
	_ =	strace s9  }
0x27: {  	s1 =	sld [smem:$0x3FA9]  }
0x28: {  	s2 =	sld [smem:$0x3FAA]  }
0x29: {  	s4 =	sld [smem:$0x3FAC]  }
0x2a: {  	p0 =	seq.s32 s5, $0x0;
	s5 =	sld [smem:$0x3FAD]  }
0x2b: {  	s6 =	sld [smem:$0x3FAE]  }
0x2c: {  	s7 =	sld [smem:$0x3FAF]  }
0x2d: {  	s3 =	simm.s32 $0x108;
	s8 =	sld [smem:$0x3FB0]  }
0x2e: {  	s3 =	simm.s32 @!p0 $0x1082;
	s9 =	sld [smem:$0x3FB1]  }
0x2f: {  	lr =	sadd.s32 s0, s3;
	s0 =	sld [smem:$0x3FA8]  }
0x30: {  	s3 =	sld [smem:$0x3FAB]  }
0x31: {  	[smem:$0x3FB4] =	sst s10  }
0x32: {  	s10 =	sld [smem:$0x3FB2];
	_ =	sdelay $0x3  }
0x33: {  	p0 =	seq.s32 s10, $0x1;
	s10 =	sld [smem:$0x3FB4];
	_ =	sdelay $0x3  }
0x34: {  	[smem:$0x3FB4] =	sst s10  }
0x35: {  	s10 =	sld [smem:$0x3FB3];
	_ =	sdelay $0x3  }
0x36: {  	p1 =	seq.s32 s10, $0x1;
	s10 =	sld [smem:$0x3FB4];
	_ =	sdelay $0x3  }
0x37: {  	[smem:$0x3FB4] =	sst s10  }
0x38: {  	s10 =	sld [smem:$0x3FB5]  }
0x39: {  	_ = 	snop;
	(pc) =	sbr.ind lr, $3  }
0x3a: {  	_ = 	snop  }
0x3b: {  	_ = 	snop  }
0x3c: {  	p2 =	seq.s32 s10, $0x1;
	s10 =	sld [smem:$0x3FB4]  }
0x3d: {  	_ =	shalt  }
0x3e: {  	_ =	shalt  }
0x3f: {  	_ =	shalt  }
0x40: {  	_ =	shalt  }
0x41: {  	_ =	shalt  }
0x42: {  	_ =	shalt  }
0x43: {  	_ =	shalt  }
0x44: {  	_ =	shalt  }
0x45: {  	_ =	shalt  }
0x46: {  	_ =	shalt  }
0x47: {  	_ =	shalt  }
0x48: {  	_ =	shalt  }
0x49: {  	_ =	shalt  }
0x4a: {  	_ =	shalt  }
0x4b: {  	_ =	shalt  }
0x4c: {  	_ =	shalt  }
0x4d: {  	_ =	shalt  }
0x4e: {  	_ =	shalt  }
0x4f: {  	_ =	shalt  }
0x50: {  	_ =	shalt  }
0x51: {  	_ =	shalt  }
0x52: {  	_ =	shalt  }
0x53: {  	_ =	shalt  }
0x54: {  	_ =	shalt  }
0x55: {  	_ =	shalt  }
0x56: {  	_ =	shalt  }
0x57: {  	_ =	shalt  }
0x58: {  	_ =	shalt  }
0x59: {  	_ =	shalt  }
0x5a: {  	_ =	shalt  }
0x5b: {  	_ =	shalt  }
0x5c: {  	_ =	shalt  }
0x5d: {  	_ =	shalt  }
0x5e: {  	_ =	shalt  }
0x5f: {  	_ =	shalt  }
0x60: {  	_ =	shalt  }
0x61: {  	_ =	shalt  }
0x62: {  	_ =	shalt  }
0x63: {  	_ =	shalt  }
0x64: {  	_ =	shalt  }
0x65: {  	_ =	shalt  }
0x66: {  	_ =	shalt  }
0x67: {  	_ =	shalt  }
0x68: {  	_ =	shalt  }
0x69: {  	_ =	shalt  }
0x6a: {  	_ =	shalt  }
0x6b: {  	_ =	shalt  }
0x6c: {  	_ =	shalt  }
0x6d: {  	_ =	shalt  }
0x6e: {  	_ =	shalt  }
0x6f: {  	_ =	shalt  }
0x70: {  	_ =	shalt  }
0x71: {  	_ =	shalt  }
0x72: {  	_ =	shalt  }
0x73: {  	_ =	shalt  }
0x74: {  	_ =	shalt  }
0x75: {  	_ =	shalt  }
0x76: {  	_ =	shalt  }
0x77: {  	_ =	shalt  }
0x78: {  	_ =	shalt  }
0x79: {  	_ =	shalt  }
0x7a: {  	_ =	shalt  }
0x7b: {  	_ =	shalt  }
0x7c: {  	_ =	shalt  }
0x7d: {  	_ =	shalt  }
0x7e: {  	_ =	shalt  }
0x7f: {  	_ =	shalt  }
0x80: {  	_ =	shalt  }
0x81: {  	_ =	shalt  }
0x82: {  	_ =	shalt  }
0x83: {  	_ =	shalt  }
0x84: {  	_ =	shalt  }
0x85: {  	_ =	shalt  }
0x86: {  	_ =	shalt  }
0x87: {  	_ =	shalt  }
.Lfunc_end0:
.L_simem_size_0:
called_computation.2_lowered:
.L_overlay_start_0:
0x88: {  	s2 =	sld [smem:$0x3FD9]  }
0x89: {  	s3 =	sld [smem:$0x3FFE];
	_ =	sdelay $0x1  }
0x8a: {  	s1 =	srdreg.scid  }
0x8b: {  	s0 =	sand.u32 $0x1, s1  }
0x8c: {  	s17 =	sshll.u32 s0, $0xA;
	s2 =	sadd.s32 s3, s2  }
0x8d: {  	s2 =	sadd.s32 s2, s17  }
0x8e: {  	[smem:$0x3FC0] =	sst s2  }
0x8f: {  	_ = 	snop  }
0x90: {  	(tm) =	ssettm $0x1  }
0x91: {  	s18 =	sld [smem:$0x3FFB];
	_ =	sdelay $0x3  }
0x92: {  	_ =	strace s18  }
0x93: {  	s2 =	sld [smem:$0x3FFC];
	_ =	sdelay $0x3  }
0x94: {  	_ =	strace s2  }
0x95: {  	s2 =	sld [smem:$0x3FFD];
	_ =	sdelay $0x3  }
0x96: {  	_ =	strace s2  }
0x97: {  	_ =	strace $0x8FFFFFFF  }
0x98: {  	s19 =	sld [smem:$0x3FDB];
	_ =	sdelay $0x1  }
0x99: {  	s20 =	simm.s32 $_scs_section_size  }
0x9a: {  	s4 =	simm.s32 $_size__tile_overlayer_lowered;
	s5 =	simm.s32 $_tile_overlayer_lowered  }
0x9b: {  	s6 =	simm.s32 $0x1BFF;
	s21 =	sshll.u32 s5, $0x1;
	s3 =	sadd.s32 s20, s19  }
0x9c: {  	s22 =	simm.s32 $0x0;
	s4 =	sshll.u32 s4, $0x1;
	s5 =	sadd.s32 s21, s3  }
0x9d: {  	[timem:s22], [sflag:s6] =	dma.local [hbm:s5], s4  }
0x9e: {  	_ =	swait.ge [sflag:s6], s4  }
0x9f: {  	s4 =	ssub.s32 $0x0, s4;
	[sflag:s6] =	ssyncset.done $0x0  }
0xa0: {  	[sflag:s6] =	ssyncadd.s32 s4;
	_ =	sdelay $0x1  }
0xa1: {  	s23 =	simm.s32 $0x1B8B  }
0xa2: {  	_ =	swait.ge [sflag:s23], $0x1  }
0xa3: {  	[sflag:s23] =	ssyncset.done $0x0  }
0xa4: {  	[sflag:s23] =	ssyncadd.s32 $0xFFFFFFFF  }
0xa5: {  	s4 =	sld [smem:$0x0]  }
0xa6: {  	s5 =	sand.u32 $0xFFFFFFFE, s1  }
0xa7: {  	p0 =	sne.s32 s1, s5  }
0xa8: {  	s5 =	sshll.u32 @p0 s5, $0xE  }
0xa9: {  	s5 =	sadd.s32 @p0 $0x11B8D, s5;
	s6 =	sshll.u32 @p0 s4, $0x11  }
0xaa: {  	s5 =	sor.u32 @p0 s6, s5  }
0xab: {  	[sflag:s5] =	ssyncadd.remote.s32 @p0 $0x1;
	_ =	sdelay $0x1  }
0xac: {  	s5 =	simm.s32 @p0 $0x1B8D  }
0xad: {  	_ =	swait.eq @p0 [sflag:s5], $0x1  }
0xae: {  	[sflag:s5] =	ssyncadd.s32 @p0 $0xFFFFFFFF  }
0xaf: {  	s6 =	sshll.u32 @!p0 s1, $0xE  }
0xb0: {  	s6 =	sor.u32 @!p0 $0x4000, s6;
	s5 =	simm.s32 @!p0 $0x1B8D  }
0xb1: {  	s4 =	sshll.u32 @!p0 s4, $0x11;
	s6 =	sadd.s32 @!p0 $0x11B8D, s6;
	_ =	swait.eq @!p0 [sflag:s5], $0x1  }
0xb2: {  	s4 =	sor.u32 @!p0 s4, s6;
	[sflag:s5] =	ssyncadd.s32 @!p0 $0xFFFFFFFF  }
0xb3: {  	s25 =	simm.s32 $0x1B8E;
	s24 =	sld [smem:$0x3FFE];
	[sflag:s4] =	ssyncadd.remote.s32 @!p0 $0x1  }
0xb4: {  	s26 =	simm.s32 $execute0_lowered;
	[smem:$0x3FD2] =	sst s25  }
0xb5: {  	s5 =	sshll.u32 s26, $0x1;
	_ =	strace $0x8000004C;
	[dreg:$0x1] =	wrdreg $0xFFFFFFFF  }
0xb6: {  	s28 =	simm.s32 $_size_execute0_lowered;
	s3 =	sadd.s32 s3, s5;
	[dreg:$0x0] =	wrdreg $0x0  }
0xb7: {  	s5 =	sshll.u32 s28, $0x1;
	[dreg:$0x2] =	wrdreg s3  }
0xb8: {  	[dreg:$0x3] =	wrdreg s5  }
0xb9: {  	[dreg:$0x4] =	wrdreg $0xC0  }
0xba: {  	_ =	task [dreg:s22], $0x5FFFF  }
0xbb: {  	[dreg:$0x1] =	wrdreg $0xFFFFFFFF  }
0xbc: {  	[dreg:$0x0] =	wrdreg $0x60  }
0xbd: {  	[dreg:$0x2] =	wrdreg s24  }
0xbe: {  	[dreg:$0x3] =	wrdreg $0xB  }
0xbf: {  	_ =	task.clear_ibuf [dreg:s22], $0x4FFFF;
	_ =	strace $0x9000004C  }
0xc0: {  	s29 =	simm.s32 $0xB;
	_ =	strace $0x8000004E  }
0xc1: {  	_ =	swait.ge [sflag:s29], $0x1  }
0xc2: {  	[sflag:s29] =	ssyncadd.s32 $0xFFFFFFFF  }
0xc3: {  	_ =	strace $0x9000004E  }
0xc4: {  	_ =	sfence  }
0xc5: {  	s30 =	sld [smem:$0x0];
	_ =	sdelay $0x2  }
0xc6: {  	s31 =	sshll.u32 s1, $0xD;
	s1 =	sshrl.u32 s1, $0x2  }
0xc7: {  	s4 =	sand.u32 $0x4000, s31;
	s1 =	sadd.s32 s1, s30  }
0xc8: {  	s0 =	sor.u32 s4, s0;
	s1 =	sshll.u32 s1, $0x11  }
0xc9: {  	s0 =	sor.u32 s1, s0  }
0xca: {  	s0 =	sadd.s32 $0x8F2B, s0  }
0xcb: {  	[sflag:s0] =	ssyncadd.remote.s32 $0x1  }
0xcc: {  	_ =	sfence.sel $0xFFFF  }
0xcd: {  	[dreg:$0x0] =	wrdreg $0xFFFFFFFF;
	(pc) =	sbr.abs _section_cstart, $3  }
0xce: {  	[dreg:$0x1] =	wrdreg $0xFFFFFFFF  }
0xcf: {  	_ =	task.clear_ibuf [dreg:s22], $0x2FFFF;
	_ =	strace $0x9FFFFFFF  }
0xd0: {  	(tm) =	ssettm $0x7FFFFFFF  }
0xd1: {  	_ =	shalt  }
tec
execute0_lowered:
.L_overlay_start_1:
0x0: {  	(tag) =	ssettag $0x1  }
0x1: {  	s4 =	rddreg [dreg:$0x0]  }
0x2: {  	s0 =	rddreg [dreg:$0x1];
	s2 =	simm.s32 $0x0;
	s3 =	srdreg.scid  }
0x3: {  	s1 =	stileid.u32;
	s10 =	simm.s32 $0x1080;
	s11 =	simm.s32 $0x1880  }
0x4: {  	s12 =	simm.s32 $0x2080;
	s13 =	simm.s32 $0x2880;
	s14 =	simm.s32 $0x3080  }
0x5: {  	s15 =	simm.s32 $0x3880;
	s16 =	simm.s32 $0x4080;
	s17 =	simm.s32 $0x4880  }
0x6: {  	s18 =	simm.s32 $0x5080;
	s19 =	simm.s32 $0x5880;
	s20 =	simm.s32 $0x6080  }
0x7: {  	s21 =	simm.s32 $0x6880;
	s22 =	simm.s32 $0x7080;
	s23 =	simm.s32 $0x7880  }
0x8: {  	s24 =	simm.s32 $0x1;
	s25 =	simm.s32 $0x0;
	s6 =	smul.u32 $0xC00, s1  }
0x9: {  	[smem:$0x7FF] =	sst s2;
	s5 =	sand.u32 $0x1, s3;
	s8 =	smul.u32 $0x18000, s1  }
0xa: {  	s3 =	sadd.s32 $0x2200, s4;
	s7 =	smul.u32 $0x600, s5;
	s9 =	ssub.s32 $0x2, s5  }
0xb: {  	_ =	strace $0x8000004D;
	s5 =	smul.u32 $0xC000, s5;
	s31 =	sshrl.u32 s9, $0x1  }
0xc: {  	s8 =	sadd.s32 s8, s4;
	s6 =	sadd.s32 s7, s6;
	s7 =	ssub.s32 s9, s31  }
0xd: {  	v2 =	vlaneseq.u32;
	s5 =	sadd.s32 s5, s8;
	s8 =	simm.s32 $0x80;
	s6 =	sshrl.u32 s6, $0x3  }
0xe: {  	vm0 =	vmmov $0xffff;
	v1 =	vshrl.u32 v2, $0x3;
	s9 =	simm.s32 $0x880;
	s5 =	sadd.s32 $0x495A00, s5;
	s6 =	sadd.s32 s6, s4  }
0xf: {  	v0 =	vand.u32 $0x7, v2;
	v2 =	vor.u32 $0x8, v2;
	v1 =	vmul.u32 $0x8, v1;
	s4 =	smax.u32 s7, $0x1;
	s7 =	simm.s32 $0x2;
	s6 =	sadd.s32 $0x311200, s6  }
.LBB2_1:
0x10: {  	s26 =	smov.u32 s5;
	s28 =	simm.s32 $0x0  }
.LBB2_2:
0x11: {  	s29 =	sadd.s32 s28, s6  }
0x12: {  	[tilespmem:s2], [sflag:$0x2] =	stream.linear.gather [hbm4b:s29+s2], $0x80, $0x38;
	[tilespmem:$0x8080] =	vst v63  }
0x13: {  	_ =	swait.ge [sflag:s7], $0x80  }
0x14: {  	[sflag:s7] =	ssyncset.done $0x0  }
0x15: {  	[sflag:s7] =	ssyncadd.s32 $0xFFFFFF80  }
0x16: {  	v3 =	vld [tilespmem:$0x0];
	_ =	sdelay $0x4  }
0x17: {  	v4 =	vshll.u32 v3, $0x1  }
0x18: {  	v3 =	vand.u32 $0x7, v3;
	v4 =	vand.u32 $0xFFFFFFF0, v4  }
0x19: {  	v3 =	vor.u32 v3, v4  }
0x1a: {  	v4 =	vperm.xlane v3, v0;
	_ =	sdelay $0x1  }
0x1b: {  	v3 =	vperm.xlane v3, v2;
	v4 =	vadd.s32 v1, v4;
	_ =	sdelay $0x1  }
0x1c: {  	v3 =	vadd.s32 v1, v3;
	_ =	sdelay $0x2  }
0x1d: {  	[tilespmem:s8], [sflag:$0x1] =	stream.indirect_vreg.gather [hbm4b:s3+s2], $0x80, v4, vm0, $0xb8;
	[tilespmem:$0x8080] =	vst v63  }
0x1e: {  	_ = 	snop  }
0x1f: {  	[tilespmem:s9], [sflag:$0x1] =	stream.indirect_vreg.gather [hbm4b:s3+s2], $0x80, v3, vm0, $0xb8;
	[tilespmem:$0x8080] =	vst v63  }
0x20: {  	v3 =	vld [tilespmem:$0x10];
	_ =	sdelay $0x4  }
0x21: {  	v57 =	vshll.u32 v3, $0x1  }
0x22: {  	v3 =	vand.u32 $0x7, v3;
	v4 =	vand.u32 $0xFFFFFFF0, v57  }
0x23: {  	v3 =	vor.u32 v3, v4  }
0x24: {  	v4 =	vperm.xlane v3, v0;
	_ =	sdelay $0x1  }
0x25: {  	v3 =	vperm.xlane v3, v2;
	v4 =	vadd.s32 v1, v4;
	_ =	sdelay $0x1  }
0x26: {  	v3 =	vadd.s32 v1, v3;
	_ =	sdelay $0x2  }
0x27: {  	[tilespmem:s10], [sflag:$0x1] =	stream.indirect_vreg.gather [hbm4b:s3+s2], $0x80, v4, vm0, $0xb8;
	[tilespmem:$0x8080] =	vst v63  }
0x28: {  	_ = 	snop  }
0x29: {  	[tilespmem:s11], [sflag:$0x1] =	stream.indirect_vreg.gather [hbm4b:s3+s2], $0x80, v3, vm0, $0xb8;
	[tilespmem:$0x8080] =	vst v63  }
0x2a: {  	v3 =	vld [tilespmem:$0x20];
	_ =	sdelay $0x4  }
0x2b: {  	v58 =	vshll.u32 v3, $0x1  }
0x2c: {  	v3 =	vand.u32 $0x7, v3;
	v4 =	vand.u32 $0xFFFFFFF0, v58  }
0x2d: {  	v3 =	vor.u32 v3, v4  }
0x2e: {  	v4 =	vperm.xlane v3, v0;
	_ =	sdelay $0x1  }
0x2f: {  	v3 =	vperm.xlane v3, v2;
	v4 =	vadd.s32 v1, v4;
	_ =	sdelay $0x1  }
0x30: {  	v3 =	vadd.s32 v1, v3;
	_ =	sdelay $0x2  }
0x31: {  	[tilespmem:s12], [sflag:$0x1] =	stream.indirect_vreg.gather [hbm4b:s3+s2], $0x80, v4, vm0, $0xb8;
	[tilespmem:$0x8080] =	vst v63  }
0x32: {  	_ = 	snop  }
0x33: {  	[tilespmem:s13], [sflag:$0x1] =	stream.indirect_vreg.gather [hbm4b:s3+s2], $0x80, v3, vm0, $0xb8;
	[tilespmem:$0x8080] =	vst v63  }
0x34: {  	v3 =	vld [tilespmem:$0x30];
	_ =	sdelay $0x4  }
0x35: {  	v59 =	vshll.u32 v3, $0x1  }
0x36: {  	v3 =	vand.u32 $0x7, v3;
	v4 =	vand.u32 $0xFFFFFFF0, v59  }
0x37: {  	v3 =	vor.u32 v3, v4  }
0x38: {  	v4 =	vperm.xlane v3, v0;
	_ =	sdelay $0x1  }
0x39: {  	v3 =	vperm.xlane v3, v2;
	v4 =	vadd.s32 v1, v4;
	_ =	sdelay $0x1  }
0x3a: {  	v3 =	vadd.s32 v1, v3;
	_ =	sdelay $0x2  }
0x3b: {  	[tilespmem:s14], [sflag:$0x1] =	stream.indirect_vreg.gather [hbm4b:s3+s2], $0x80, v4, vm0, $0xb8;
	[tilespmem:$0x8080] =	vst v63  }
0x3c: {  	_ = 	snop  }
0x3d: {  	[tilespmem:s15], [sflag:$0x1] =	stream.indirect_vreg.gather [hbm4b:s3+s2], $0x80, v3, vm0, $0xb8;
	[tilespmem:$0x8080] =	vst v63  }
0x3e: {  	v3 =	vld [tilespmem:$0x40];
	_ =	sdelay $0x4  }
0x3f: {  	v60 =	vshll.u32 v3, $0x1  }
0x40: {  	v3 =	vand.u32 $0x7, v3;
	v4 =	vand.u32 $0xFFFFFFF0, v60  }
0x41: {  	v3 =	vor.u32 v3, v4  }
0x42: {  	v4 =	vperm.xlane v3, v0;
	_ =	sdelay $0x1  }
0x43: {  	v3 =	vperm.xlane v3, v2;
	v4 =	vadd.s32 v1, v4;
	_ =	sdelay $0x1  }
0x44: {  	v3 =	vadd.s32 v1, v3;
	_ =	sdelay $0x2  }
0x45: {  	[tilespmem:s16], [sflag:$0x1] =	stream.indirect_vreg.gather [hbm4b:s3+s2], $0x80, v4, vm0, $0xb8;
	[tilespmem:$0x8080] =	vst v63  }
0x46: {  	_ = 	snop  }
0x47: {  	[tilespmem:s17], [sflag:$0x1] =	stream.indirect_vreg.gather [hbm4b:s3+s2], $0x80, v3, vm0, $0xb8;
	[tilespmem:$0x8080] =	vst v63  }
0x48: {  	v3 =	vld [tilespmem:$0x50];
	_ =	sdelay $0x4  }
0x49: {  	v61 =	vshll.u32 v3, $0x1  }
0x4a: {  	v3 =	vand.u32 $0x7, v3;
	v4 =	vand.u32 $0xFFFFFFF0, v61  }
0x4b: {  	v3 =	vor.u32 v3, v4  }
0x4c: {  	v4 =	vperm.xlane v3, v0;
	_ =	sdelay $0x1  }
0x4d: {  	v3 =	vperm.xlane v3, v2;
	v4 =	vadd.s32 v1, v4;
	_ =	sdelay $0x1  }
0x4e: {  	v3 =	vadd.s32 v1, v3;
	_ =	sdelay $0x2  }
0x4f: {  	[tilespmem:s18], [sflag:$0x1] =	stream.indirect_vreg.gather [hbm4b:s3+s2], $0x80, v4, vm0, $0xb8;
	[tilespmem:$0x8080] =	vst v63  }
0x50: {  	_ = 	snop  }
0x51: {  	[tilespmem:s19], [sflag:$0x1] =	stream.indirect_vreg.gather [hbm4b:s3+s2], $0x80, v3, vm0, $0xb8;
	[tilespmem:$0x8080] =	vst v63  }
0x52: {  	v3 =	vld [tilespmem:$0x60];
	_ =	sdelay $0x4  }
0x53: {  	v62 =	vshll.u32 v3, $0x1  }
0x54: {  	v3 =	vand.u32 $0x7, v3;
	v4 =	vand.u32 $0xFFFFFFF0, v62  }
0x55: {  	v3 =	vor.u32 v3, v4  }
0x56: {  	v4 =	vperm.xlane v3, v0;
	_ =	sdelay $0x1  }
0x57: {  	v3 =	vperm.xlane v3, v2;
	v4 =	vadd.s32 v1, v4;
	_ =	sdelay $0x1  }
0x58: {  	v3 =	vadd.s32 v1, v3;
	_ =	sdelay $0x2  }
0x59: {  	[tilespmem:s20], [sflag:$0x1] =	stream.indirect_vreg.gather [hbm4b:s3+s2], $0x80, v4, vm0, $0xb8;
	[tilespmem:$0x8080] =	vst v63  }
0x5a: {  	_ = 	snop  }
0x5b: {  	[tilespmem:s21], [sflag:$0x1] =	stream.indirect_vreg.gather [hbm4b:s3+s2], $0x80, v3, vm0, $0xb8;
	[tilespmem:$0x8080] =	vst v63  }
0x5c: {  	v3 =	vld [tilespmem:$0x70];
	_ =	sdelay $0x4  }
0x5d: {  	v63 =	vshll.u32 v3, $0x1  }
0x5e: {  	v3 =	vand.u32 $0x7, v3;
	v4 =	vand.u32 $0xFFFFFFF0, v63  }
0x5f: {  	v3 =	vor.u32 v3, v4  }
0x60: {  	v4 =	vperm.xlane v3, v0;
	_ =	sdelay $0x1  }
0x61: {  	v3 =	vperm.xlane v3, v2;
	v4 =	vadd.s32 v1, v4;
	_ =	sdelay $0x1  }
0x62: {  	v3 =	vadd.s32 v1, v3;
	_ =	sdelay $0x2  }
0x63: {  	[tilespmem:s22], [sflag:$0x1] =	stream.indirect_vreg.gather [hbm4b:s3+s2], $0x80, v4, vm0, $0xb8;
	[tilespmem:$0x8080] =	vst v63  }
0x64: {  	_ = 	snop  }
0x65: {  	[tilespmem:s23], [sflag:$0x1] =	stream.indirect_vreg.gather [hbm4b:s3+s2], $0x80, v3, vm0, $0xb8;
	[tilespmem:$0x8080] =	vst v63  }
0x66: {  	_ =	swait.ge [sflag:s24], $0x8000  }
0x67: {  	p0 =	sne.s32 s28, $0xB0;
	[sflag:s24] =	ssyncset.done $0x0  }
.Ltmp0:
0x68: {  	[sflag:s24] =	ssyncadd.s32 $0xFFFF8000;
	(pc) =	sbr.rel @p0 .LBB2_2-.Ltmp0, $4  }
0x69: {  	[hbm4b:s26+s2] =	stream.linear.scatter [tilespmem:s8], [sflag:$0x2], $0x8000, $0x38;
	[tilespmem:$0x8080] =	vst v63  }
0x6a: {  	_ =	swait.ge [sflag:s7], $0x8000  }
0x6b: {  	[sflag:s7] =	ssyncset.done $0x0  }
0x6c: {  	s28 =	sadd.s32 $0x10, s28;
	s26 =	sadd.s32 $0x1000, s26;
	[sflag:s7] =	ssyncadd.s32 $0xFFFF8000  }
0x6d: {  	s25 =	sadd.s32 $0x1, s25  }
0x6e: {  	p0 =	sne.s32 s25, s4  }
.Ltmp1:
0x6f: {  	_ = 	snop;
	(pc) =	sbr.rel @p0 .LBB2_1-.Ltmp1, $1  }
0x70: {  	_ =	sdelay $0x3  }
0x71: {  	_ =	sfence.sel $0x180000  }
0x72: {  	[bflag:$0x0] =	sbarrier.arrive $0xFFFF  }
0x73: {  	p0 =	sne.s32 s1, $0x0;
	_ =	strace $0x9000004D  }
0x74: {  	s0 =	sadd.s32 @!p0 $0x100000, s0;
	[bflag:$0x2] =	sbarrier.arrive $0xFFFF  }
0x75: {  	[sflag:s0] =	ssyncadd.tile.s32 @!p0 $0x1;
	_ =	shalt  }
.Lfunc_end2:
_tile_overlayer_lowered:
.L_overlay_start_2:
0x76: {  	(tag) =	ssettag $0x2  }
0x77: {  	s0 =	rddreg [dreg:$0x0];
	s2 =	stileid.u32  }
0x78: {  	s1 =	rddreg [dreg:$0x1];
	p0 =	sne.s32 s2, $0x0  }
0x79: {  	s3 =	rddreg [dreg:$0x2];
	[bflag:$0x3] =	sbarrier.arrive $0xFFFF;
	s2 =	simm.s32 @!p0 $0x1C02  }
0x7a: {  	[timem:s3], [sflag:s2] =	dma.local @!p0 [hbm:s0], s1  }
0x7b: {  	s0 =	simm.s32 @!p0 $0x2  }
0x7c: {  	_ =	swait.ge @!p0 [sflag:s0], s1  }
0x7d: {  	s1 =	ssub.s32 @!p0 $0x0, s1;
	[sflag:s0] =	ssyncset.done @!p0 $0x0  }
0x7e: {  	[sflag:s0] =	ssyncadd.s32 @!p0 s1  }
0x7f: {  	[bflag:$0x3] =	sbarrier.arrive $0xFFFF  }
0x80: {  	_ =	shalt  }

// kernel: kernel.22.cloned.1.call-start
scs
__scs_entry_jumppad:
0x0: {  	(pc) =	sbr.rel $0x88, $3  }
0x1: {  	(tag) =	ssettag $0x0;
	lr =	simm.s32 $0x1  }
0x2: {  	[smem:$0x3F99] =	sst lr;
	_ =	strace $0xD0000000  }
0x3: {  	_ = 	snop  }
0x4: {  	_ = 	snop  }
0x5: {  	_ = 	snop  }
0x6: {  	_ = 	snop  }
0x7: {  	_ = 	snop  }
__scs_overlays_trampoline_lowered:
0x8: {  	[smem:$0x3FA8] =	sst s0  }
0x9: {  	[smem:$0x3FA9] =	sst s1  }
0xa: {  	[smem:$0x3FAA] =	sst s2  }
0xb: {  	[smem:$0x3FAB] =	sst s3  }
0xc: {  	[smem:$0x3FAC] =	sst s4  }
0xd: {  	[smem:$0x3FAD] =	sst s5  }
0xe: {  	[smem:$0x3FAE] =	sst s6  }
0xf: {  	[smem:$0x3FAF] =	sst s7  }
0x10: {  	[smem:$0x3FB0] =	sst s8  }
0x11: {  	[smem:$0x3FB1] =	sst s9;
	s0 =	simm.s32 @!p0 $0x0  }
0x12: {  	s1 =	sld [smem:$0x3F97];
	s0 =	simm.s32 @p0 $0x1  }
0x13: {  	[smem:$0x3FB2] =	sst s0;
	s0 =	simm.s32 @!p1 $0x0  }
0x14: {  	s2 =	sld [smem:$0x3F96];
	s0 =	simm.s32 @p1 $0x1  }
0x15: {  	[smem:$0x3FB3] =	sst s0;
	s0 =	simm.s32 @!p2 $0x0  }
0x16: {  	s3 =	sld [smem:$0x3FDB];
	s0 =	simm.s32 @p2 $0x1  }
0x17: {  	s4 =	simm.s32 $0x1BF5;
	[smem:$0x3FB5] =	sst s0  }
0x18: {  	s0 =	sld [smem:$0x3F98];
	_ =	swait.ge [sflag:s4], $0x0  }
0x19: {  	s7 =	sld [smem:$0x3F99]  }
0x1a: {  	s8 =	sadd.s32 $0xFFFFE003, lr  }
0x1b: {  	s9 =	sadd.s32 $0xFFFFFEF7, lr;
	s5 =	simm.s32 $0xFFFFFFFF;
	p2 =	slt.u32 s8, $0xFFFFF086  }
0x1c: {  	p1 =	slt.u32 s9, $0xF7A;
	s5 =	simm.s32 @!p2 $0x0  }
0x1d: {  	s5 =	simm.s32 @p1 $0x1;
	p0 =	seq.s32 s7, s2  }
0x1e: {  	s7 =	smul.u32 @!p0 $0xF7A, s2;
	p2 =	seq.s32 @!p0 s5, $0x0  }
0x1f: {  	s9 =	smul.u32 $0xF7A, s1;
	s8 =	simm.s32 @!p0 $0x1BF5;
	p2 =	por !p2, p0  }
0x20: {  	[sflag:s8] =	ssyncset.s32 @!p0 $0xFFFFF086;
	s6 =	sadd.s32 @!p0 s3, s7;
	s7 =	simm.s32 @!p0 $0x108  }
0x21: {  	s3 =	sadd.s32 s3, s9;
	s6 =	sadd.s32 @!p0 $0x88, s6;
	s7 =	simm.s32 @p2 $0x1082  }
0x22: {  	[simem:s7], [sflag:s8] =	dma.local @!p0 [hbm:s6], $0xF7A  }
0x23: {  	s9 =	sor.u32 $0xD0000000, s2;
	s6 =	simm.s32 $0x108;
	_ =	swait.ge @!p0 [sflag:s8], $0x0  }
0x24: {  	s3 =	sadd.s32 $0x88, s3;
	s6 =	simm.s32 @!p1 $0x1082;
	[sflag:s4] =	ssyncset.s32 $0xFFFFF086  }
0x25: {  	[simem:s6], [sflag:s4] =	dma.local [hbm:s3], $0xF7A  }
0x26: {  	[smem:$0x3F99] =	sst s1;
	(tag) =	ssettag s2;
	_ =	strace s9  }
0x27: {  	s1 =	sld [smem:$0x3FA9]  }
0x28: {  	s2 =	sld [smem:$0x3FAA]  }
0x29: {  	s4 =	sld [smem:$0x3FAC]  }
0x2a: {  	p0 =	seq.s32 s5, $0x0;
	s5 =	sld [smem:$0x3FAD]  }
0x2b: {  	s6 =	sld [smem:$0x3FAE]  }
0x2c: {  	s7 =	sld [smem:$0x3FAF]  }
0x2d: {  	s3 =	simm.s32 $0x108;
	s8 =	sld [smem:$0x3FB0]  }
0x2e: {  	s3 =	simm.s32 @!p0 $0x1082;
	s9 =	sld [smem:$0x3FB1]  }
0x2f: {  	lr =	sadd.s32 s0, s3;
	s0 =	sld [smem:$0x3FA8]  }
0x30: {  	s3 =	sld [smem:$0x3FAB]  }
0x31: {  	[smem:$0x3FB4] =	sst s10  }
0x32: {  	s10 =	sld [smem:$0x3FB2];
	_ =	sdelay $0x3  }
0x33: {  	p0 =	seq.s32 s10, $0x1;
	s10 =	sld [smem:$0x3FB4];
	_ =	sdelay $0x3  }
0x34: {  	[smem:$0x3FB4] =	sst s10  }
0x35: {  	s10 =	sld [smem:$0x3FB3];
	_ =	sdelay $0x3  }
0x36: {  	p1 =	seq.s32 s10, $0x1;
	s10 =	sld [smem:$0x3FB4];
	_ =	sdelay $0x3  }
0x37: {  	[smem:$0x3FB4] =	sst s10  }
0x38: {  	s10 =	sld [smem:$0x3FB5]  }
0x39: {  	_ = 	snop;
	(pc) =	sbr.ind lr, $3  }
0x3a: {  	_ = 	snop  }
0x3b: {  	_ = 	snop  }
0x3c: {  	p2 =	seq.s32 s10, $0x1;
	s10 =	sld [smem:$0x3FB4]  }
0x3d: {  	_ =	shalt  }
0x3e: {  	_ =	shalt  }
0x3f: {  	_ =	shalt  }
0x40: {  	_ =	shalt  }
0x41: {  	_ =	shalt  }
0x42: {  	_ =	shalt  }
0x43: {  	_ =	shalt  }
0x44: {  	_ =	shalt  }
0x45: {  	_ =	shalt  }
0x46: {  	_ =	shalt  }
0x47: {  	_ =	shalt  }
0x48: {  	_ =	shalt  }
0x49: {  	_ =	shalt  }
0x4a: {  	_ =	shalt  }
0x4b: {  	_ =	shalt  }
0x4c: {  	_ =	shalt  }
0x4d: {  	_ =	shalt  }
0x4e: {  	_ =	shalt  }
0x4f: {  	_ =	shalt  }
0x50: {  	_ =	shalt  }
0x51: {  	_ =	shalt  }
0x52: {  	_ =	shalt  }
0x53: {  	_ =	shalt  }
0x54: {  	_ =	shalt  }
0x55: {  	_ =	shalt  }
0x56: {  	_ =	shalt  }
0x57: {  	_ =	shalt  }
0x58: {  	_ =	shalt  }
0x59: {  	_ =	shalt  }
0x5a: {  	_ =	shalt  }
0x5b: {  	_ =	shalt  }
0x5c: {  	_ =	shalt  }
0x5d: {  	_ =	shalt  }
0x5e: {  	_ =	shalt  }
0x5f: {  	_ =	shalt  }
0x60: {  	_ =	shalt  }
0x61: {  	_ =	shalt  }
0x62: {  	_ =	shalt  }
0x63: {  	_ =	shalt  }
0x64: {  	_ =	shalt  }
0x65: {  	_ =	shalt  }
0x66: {  	_ =	shalt  }
0x67: {  	_ =	shalt  }
0x68: {  	_ =	shalt  }
0x69: {  	_ =	shalt  }
0x6a: {  	_ =	shalt  }
0x6b: {  	_ =	shalt  }
0x6c: {  	_ =	shalt  }
0x6d: {  	_ =	shalt  }
0x6e: {  	_ =	shalt  }
0x6f: {  	_ =	shalt  }
0x70: {  	_ =	shalt  }
0x71: {  	_ =	shalt  }
0x72: {  	_ =	shalt  }
0x73: {  	_ =	shalt  }
0x74: {  	_ =	shalt  }
0x75: {  	_ =	shalt  }
0x76: {  	_ =	shalt  }
0x77: {  	_ =	shalt  }
0x78: {  	_ =	shalt  }
0x79: {  	_ =	shalt  }
0x7a: {  	_ =	shalt  }
0x7b: {  	_ =	shalt  }
0x7c: {  	_ =	shalt  }
0x7d: {  	_ =	shalt  }
0x7e: {  	_ =	shalt  }
0x7f: {  	_ =	shalt  }
0x80: {  	_ =	shalt  }
0x81: {  	_ =	shalt  }
0x82: {  	_ =	shalt  }
0x83: {  	_ =	shalt  }
0x84: {  	_ =	shalt  }
0x85: {  	_ =	shalt  }
0x86: {  	_ =	shalt  }
0x87: {  	_ =	shalt  }
.Lfunc_end0:
.L_simem_size_0:
called_computation.3_lowered:
.L_overlay_start_0:
0x88: {  	s2 =	sld [smem:$0x3FD9]  }
0x89: {  	s3 =	sld [smem:$0x3FFE];
	_ =	sdelay $0x1  }
0x8a: {  	s1 =	srdreg.scid  }
0x8b: {  	s0 =	sand.u32 $0x1, s1  }
0x8c: {  	s17 =	sshll.u32 s0, $0xA;
	s2 =	sadd.s32 s3, s2  }
0x8d: {  	s2 =	sadd.s32 s2, s17  }
0x8e: {  	[smem:$0x3FC0] =	sst s2  }
0x8f: {  	_ = 	snop  }
0x90: {  	(tm) =	ssettm $0x1  }
0x91: {  	s18 =	sld [smem:$0x3FFB];
	_ =	sdelay $0x3  }
0x92: {  	_ =	strace s18  }
0x93: {  	s2 =	sld [smem:$0x3FFC];
	_ =	sdelay $0x3  }
0x94: {  	_ =	strace s2  }
0x95: {  	s2 =	sld [smem:$0x3FFD];
	_ =	sdelay $0x3  }
0x96: {  	_ =	strace s2  }
0x97: {  	_ =	strace $0x8FFFFFFF  }
0x98: {  	s19 =	sld [smem:$0x3FDB];
	_ =	sdelay $0x1  }
0x99: {  	s20 =	simm.s32 $_scs_section_size  }
0x9a: {  	s4 =	simm.s32 $_size__tile_overlayer_lowered;
	s5 =	simm.s32 $_tile_overlayer_lowered  }
0x9b: {  	s6 =	simm.s32 $0x1BFF;
	s21 =	sshll.u32 s5, $0x1;
	s3 =	sadd.s32 s20, s19  }
0x9c: {  	s22 =	simm.s32 $0x0;
	s4 =	sshll.u32 s4, $0x1;
	s5 =	sadd.s32 s21, s3  }
0x9d: {  	[timem:s22], [sflag:s6] =	dma.local [hbm:s5], s4  }
0x9e: {  	_ =	swait.ge [sflag:s6], s4  }
0x9f: {  	s4 =	ssub.s32 $0x0, s4;
	[sflag:s6] =	ssyncset.done $0x0  }
0xa0: {  	[sflag:s6] =	ssyncadd.s32 s4;
	_ =	sdelay $0x1  }
0xa1: {  	s23 =	simm.s32 $0x1B8B  }
0xa2: {  	_ =	swait.ge [sflag:s23], $0x1  }
0xa3: {  	[sflag:s23] =	ssyncset.done $0x0  }
0xa4: {  	[sflag:s23] =	ssyncadd.s32 $0xFFFFFFFF  }
0xa5: {  	s4 =	sld [smem:$0x0]  }
0xa6: {  	s5 =	sand.u32 $0xFFFFFFFE, s1  }
0xa7: {  	p0 =	sne.s32 s1, s5  }
0xa8: {  	s5 =	sshll.u32 @p0 s5, $0xE  }
0xa9: {  	s5 =	sadd.s32 @p0 $0x11B8D, s5;
	s6 =	sshll.u32 @p0 s4, $0x11  }
0xaa: {  	s5 =	sor.u32 @p0 s6, s5  }
0xab: {  	[sflag:s5] =	ssyncadd.remote.s32 @p0 $0x1;
	_ =	sdelay $0x1  }
0xac: {  	s5 =	simm.s32 @p0 $0x1B8D  }
0xad: {  	_ =	swait.eq @p0 [sflag:s5], $0x1  }
0xae: {  	[sflag:s5] =	ssyncadd.s32 @p0 $0xFFFFFFFF  }
0xaf: {  	s6 =	sshll.u32 @!p0 s1, $0xE  }
0xb0: {  	s6 =	sor.u32 @!p0 $0x4000, s6;
	s5 =	simm.s32 @!p0 $0x1B8D  }
0xb1: {  	s4 =	sshll.u32 @!p0 s4, $0x11;
	s6 =	sadd.s32 @!p0 $0x11B8D, s6;
	_ =	swait.eq @!p0 [sflag:s5], $0x1  }
0xb2: {  	s4 =	sor.u32 @!p0 s4, s6;
	[sflag:s5] =	ssyncadd.s32 @!p0 $0xFFFFFFFF  }
0xb3: {  	s25 =	simm.s32 $0x1B8E;
	s24 =	sld [smem:$0x3FFE];
	[sflag:s4] =	ssyncadd.remote.s32 @!p0 $0x1  }
0xb4: {  	s26 =	simm.s32 $execute0_lowered;
	[smem:$0x3FD2] =	sst s25  }
0xb5: {  	s5 =	sshll.u32 s26, $0x1;
	_ =	strace $0x8000004F;
	[dreg:$0x1] =	wrdreg $0xFFFFFFFF  }
0xb6: {  	s28 =	simm.s32 $_size_execute0_lowered;
	s3 =	sadd.s32 s3, s5;
	[dreg:$0x0] =	wrdreg $0x0  }
0xb7: {  	s5 =	sshll.u32 s28, $0x1;
	[dreg:$0x2] =	wrdreg s3  }
0xb8: {  	[dreg:$0x3] =	wrdreg s5  }
0xb9: {  	[dreg:$0x4] =	wrdreg $0xC0  }
0xba: {  	_ =	task [dreg:s22], $0x5FFFF  }
0xbb: {  	[dreg:$0x1] =	wrdreg $0xFFFFFFFF  }
0xbc: {  	[dreg:$0x0] =	wrdreg $0x60  }
0xbd: {  	[dreg:$0x2] =	wrdreg s24  }
0xbe: {  	[dreg:$0x3] =	wrdreg $0xC  }
0xbf: {  	_ =	task.clear_ibuf [dreg:s22], $0x4FFFF;
	_ =	strace $0x9000004F  }
0xc0: {  	s29 =	simm.s32 $0xC;
	_ =	strace $0x80000051  }
0xc1: {  	_ =	swait.ge [sflag:s29], $0x1  }
0xc2: {  	[sflag:s29] =	ssyncadd.s32 $0xFFFFFFFF  }
0xc3: {  	_ =	strace $0x90000051  }
0xc4: {  	_ =	sfence  }
0xc5: {  	s30 =	sld [smem:$0x0];
	_ =	sdelay $0x2  }
0xc6: {  	s31 =	sshll.u32 s1, $0xD;
	s1 =	sshrl.u32 s1, $0x2  }
0xc7: {  	s4 =	sand.u32 $0x4000, s31;
	s1 =	sadd.s32 s1, s30  }
0xc8: {  	s0 =	sor.u32 s4, s0;
	s1 =	sshll.u32 s1, $0x11  }
0xc9: {  	s0 =	sor.u32 s1, s0  }
0xca: {  	s0 =	sadd.s32 $0x8F2B, s0  }
0xcb: {  	[sflag:s0] =	ssyncadd.remote.s32 $0x1  }
0xcc: {  	_ =	sfence.sel $0xFFFF  }
0xcd: {  	[dreg:$0x0] =	wrdreg $0xFFFFFFFF;
	(pc) =	sbr.abs _section_cstart, $3  }
0xce: {  	[dreg:$0x1] =	wrdreg $0xFFFFFFFF  }
0xcf: {  	_ =	task.clear_ibuf [dreg:s22], $0x2FFFF;
	_ =	strace $0x9FFFFFFF  }
0xd0: {  	(tm) =	ssettm $0x7FFFFFFF  }
0xd1: {  	_ =	shalt  }
tec
execute0_lowered:
.L_overlay_start_1:
0x0: {  	(tag) =	ssettag $0x1  }
0x1: {  	s4 =	rddreg [dreg:$0x0]  }
0x2: {  	s0 =	rddreg [dreg:$0x1];
	s2 =	simm.s32 $0x0;
	s3 =	srdreg.scid  }
0x3: {  	s1 =	stileid.u32;
	s10 =	simm.s32 $0x1080;
	s11 =	simm.s32 $0x1880  }
0x4: {  	s12 =	simm.s32 $0x2080;
	s13 =	simm.s32 $0x2880;
	s14 =	simm.s32 $0x3080  }
0x5: {  	s15 =	simm.s32 $0x3880;
	s16 =	simm.s32 $0x4080;
	s17 =	simm.s32 $0x4880  }
0x6: {  	s18 =	simm.s32 $0x5080;
	s19 =	simm.s32 $0x5880;
	s20 =	simm.s32 $0x6080  }
0x7: {  	s21 =	simm.s32 $0x6880;
	s22 =	simm.s32 $0x7080;
	s23 =	simm.s32 $0x7880  }
0x8: {  	s24 =	simm.s32 $0x1;
	s25 =	simm.s32 $0x0;
	s6 =	smul.u32 $0xC00, s1  }
0x9: {  	[smem:$0x7FF] =	sst s2;
	s5 =	sand.u32 $0x1, s3;
	s8 =	smul.u32 $0x18000, s1  }
0xa: {  	s3 =	sadd.s32 $0x2200, s4;
	s7 =	smul.u32 $0x600, s5;
	s9 =	ssub.s32 $0x2, s5  }
0xb: {  	_ =	strace $0x80000050;
	s5 =	smul.u32 $0xC000, s5;
	s31 =	sshrl.u32 s9, $0x1  }
0xc: {  	s8 =	sadd.s32 s8, s4;
	s6 =	sadd.s32 s7, s6;
	s7 =	ssub.s32 s9, s31  }
0xd: {  	v2 =	vlaneseq.u32;
	s5 =	sadd.s32 s5, s8;
	s8 =	simm.s32 $0x80;
	s6 =	sshrl.u32 s6, $0x3  }
0xe: {  	vm0 =	vmmov $0xffff;
	v1 =	vshrl.u32 v2, $0x3;
	s9 =	simm.s32 $0x880;
	s5 =	sadd.s32 $0x615A00, s5;
	s6 =	sadd.s32 s6, s4  }
0xf: {  	v0 =	vand.u32 $0x7, v2;
	v2 =	vor.u32 $0x8, v2;
	v1 =	vmul.u32 $0x8, v1;
	s4 =	smax.u32 s7, $0x1;
	s7 =	simm.s32 $0x2;
	s6 =	sadd.s32 $0x312A00, s6  }
.LBB2_1:
0x10: {  	s26 =	smov.u32 s5;
	s28 =	simm.s32 $0x0  }
.LBB2_2:
0x11: {  	s29 =	sadd.s32 s28, s6  }
0x12: {  	[tilespmem:s2], [sflag:$0x2] =	stream.linear.gather [hbm4b:s29+s2], $0x80, $0x38;
	[tilespmem:$0x8080] =	vst v63  }
0x13: {  	_ =	swait.ge [sflag:s7], $0x80  }
0x14: {  	[sflag:s7] =	ssyncset.done $0x0  }
0x15: {  	[sflag:s7] =	ssyncadd.s32 $0xFFFFFF80  }
0x16: {  	v3 =	vld [tilespmem:$0x0];
	_ =	sdelay $0x4  }
0x17: {  	v4 =	vshll.u32 v3, $0x1  }
0x18: {  	v3 =	vand.u32 $0x7, v3;
	v4 =	vand.u32 $0xFFFFFFF0, v4  }
0x19: {  	v3 =	vor.u32 v3, v4  }
0x1a: {  	v4 =	vperm.xlane v3, v0;
	_ =	sdelay $0x1  }
0x1b: {  	v3 =	vperm.xlane v3, v2;
	v4 =	vadd.s32 v1, v4;
	_ =	sdelay $0x1  }
0x1c: {  	v3 =	vadd.s32 v1, v3;
	_ =	sdelay $0x2  }
0x1d: {  	[tilespmem:s8], [sflag:$0x1] =	stream.indirect_vreg.gather [hbm4b:s3+s2], $0x80, v4, vm0, $0xb8;
	[tilespmem:$0x8080] =	vst v63  }
0x1e: {  	_ = 	snop  }
0x1f: {  	[tilespmem:s9], [sflag:$0x1] =	stream.indirect_vreg.gather [hbm4b:s3+s2], $0x80, v3, vm0, $0xb8;
	[tilespmem:$0x8080] =	vst v63  }
0x20: {  	v3 =	vld [tilespmem:$0x10];
	_ =	sdelay $0x4  }
0x21: {  	v57 =	vshll.u32 v3, $0x1  }
0x22: {  	v3 =	vand.u32 $0x7, v3;
	v4 =	vand.u32 $0xFFFFFFF0, v57  }
0x23: {  	v3 =	vor.u32 v3, v4  }
0x24: {  	v4 =	vperm.xlane v3, v0;
	_ =	sdelay $0x1  }
0x25: {  	v3 =	vperm.xlane v3, v2;
	v4 =	vadd.s32 v1, v4;
	_ =	sdelay $0x1  }
0x26: {  	v3 =	vadd.s32 v1, v3;
	_ =	sdelay $0x2  }
0x27: {  	[tilespmem:s10], [sflag:$0x1] =	stream.indirect_vreg.gather [hbm4b:s3+s2], $0x80, v4, vm0, $0xb8;
	[tilespmem:$0x8080] =	vst v63  }
0x28: {  	_ = 	snop  }
0x29: {  	[tilespmem:s11], [sflag:$0x1] =	stream.indirect_vreg.gather [hbm4b:s3+s2], $0x80, v3, vm0, $0xb8;
	[tilespmem:$0x8080] =	vst v63  }
0x2a: {  	v3 =	vld [tilespmem:$0x20];
	_ =	sdelay $0x4  }
0x2b: {  	v58 =	vshll.u32 v3, $0x1  }
0x2c: {  	v3 =	vand.u32 $0x7, v3;
	v4 =	vand.u32 $0xFFFFFFF0, v58  }
0x2d: {  	v3 =	vor.u32 v3, v4  }
0x2e: {  	v4 =	vperm.xlane v3, v0;
	_ =	sdelay $0x1  }
0x2f: {  	v3 =	vperm.xlane v3, v2;
	v4 =	vadd.s32 v1, v4;
	_ =	sdelay $0x1  }
0x30: {  	v3 =	vadd.s32 v1, v3;
	_ =	sdelay $0x2  }
0x31: {  	[tilespmem:s12], [sflag:$0x1] =	stream.indirect_vreg.gather [hbm4b:s3+s2], $0x80, v4, vm0, $0xb8;
	[tilespmem:$0x8080] =	vst v63  }
0x32: {  	_ = 	snop  }
0x33: {  	[tilespmem:s13], [sflag:$0x1] =	stream.indirect_vreg.gather [hbm4b:s3+s2], $0x80, v3, vm0, $0xb8;
	[tilespmem:$0x8080] =	vst v63  }
0x34: {  	v3 =	vld [tilespmem:$0x30];
	_ =	sdelay $0x4  }
0x35: {  	v59 =	vshll.u32 v3, $0x1  }
0x36: {  	v3 =	vand.u32 $0x7, v3;
	v4 =	vand.u32 $0xFFFFFFF0, v59  }
0x37: {  	v3 =	vor.u32 v3, v4  }
0x38: {  	v4 =	vperm.xlane v3, v0;
	_ =	sdelay $0x1  }
0x39: {  	v3 =	vperm.xlane v3, v2;
	v4 =	vadd.s32 v1, v4;
	_ =	sdelay $0x1  }
0x3a: {  	v3 =	vadd.s32 v1, v3;
	_ =	sdelay $0x2  }
0x3b: {  	[tilespmem:s14], [sflag:$0x1] =	stream.indirect_vreg.gather [hbm4b:s3+s2], $0x80, v4, vm0, $0xb8;
	[tilespmem:$0x8080] =	vst v63  }
0x3c: {  	_ = 	snop  }
0x3d: {  	[tilespmem:s15], [sflag:$0x1] =	stream.indirect_vreg.gather [hbm4b:s3+s2], $0x80, v3, vm0, $0xb8;
	[tilespmem:$0x8080] =	vst v63  }
0x3e: {  	v3 =	vld [tilespmem:$0x40];
	_ =	sdelay $0x4  }
0x3f: {  	v60 =	vshll.u32 v3, $0x1  }
0x40: {  	v3 =	vand.u32 $0x7, v3;
	v4 =	vand.u32 $0xFFFFFFF0, v60  }
0x41: {  	v3 =	vor.u32 v3, v4  }
0x42: {  	v4 =	vperm.xlane v3, v0;
	_ =	sdelay $0x1  }
0x43: {  	v3 =	vperm.xlane v3, v2;
	v4 =	vadd.s32 v1, v4;
	_ =	sdelay $0x1  }
0x44: {  	v3 =	vadd.s32 v1, v3;
	_ =	sdelay $0x2  }
0x45: {  	[tilespmem:s16], [sflag:$0x1] =	stream.indirect_vreg.gather [hbm4b:s3+s2], $0x80, v4, vm0, $0xb8;
	[tilespmem:$0x8080] =	vst v63  }
0x46: {  	_ = 	snop  }
0x47: {  	[tilespmem:s17], [sflag:$0x1] =	stream.indirect_vreg.gather [hbm4b:s3+s2], $0x80, v3, vm0, $0xb8;
	[tilespmem:$0x8080] =	vst v63  }
0x48: {  	v3 =	vld [tilespmem:$0x50];
	_ =	sdelay $0x4  }
0x49: {  	v61 =	vshll.u32 v3, $0x1  }
0x4a: {  	v3 =	vand.u32 $0x7, v3;
	v4 =	vand.u32 $0xFFFFFFF0, v61  }
0x4b: {  	v3 =	vor.u32 v3, v4  }
0x4c: {  	v4 =	vperm.xlane v3, v0;
	_ =	sdelay $0x1  }
0x4d: {  	v3 =	vperm.xlane v3, v2;
	v4 =	vadd.s32 v1, v4;
	_ =	sdelay $0x1  }
0x4e: {  	v3 =	vadd.s32 v1, v3;
	_ =	sdelay $0x2  }
0x4f: {  	[tilespmem:s18], [sflag:$0x1] =	stream.indirect_vreg.gather [hbm4b:s3+s2], $0x80, v4, vm0, $0xb8;
	[tilespmem:$0x8080] =	vst v63  }
0x50: {  	_ = 	snop  }
0x51: {  	[tilespmem:s19], [sflag:$0x1] =	stream.indirect_vreg.gather [hbm4b:s3+s2], $0x80, v3, vm0, $0xb8;
	[tilespmem:$0x8080] =	vst v63  }
0x52: {  	v3 =	vld [tilespmem:$0x60];
	_ =	sdelay $0x4  }
0x53: {  	v62 =	vshll.u32 v3, $0x1  }
0x54: {  	v3 =	vand.u32 $0x7, v3;
	v4 =	vand.u32 $0xFFFFFFF0, v62  }
0x55: {  	v3 =	vor.u32 v3, v4  }
0x56: {  	v4 =	vperm.xlane v3, v0;
	_ =	sdelay $0x1  }
0x57: {  	v3 =	vperm.xlane v3, v2;
	v4 =	vadd.s32 v1, v4;
	_ =	sdelay $0x1  }
0x58: {  	v3 =	vadd.s32 v1, v3;
	_ =	sdelay $0x2  }
0x59: {  	[tilespmem:s20], [sflag:$0x1] =	stream.indirect_vreg.gather [hbm4b:s3+s2], $0x80, v4, vm0, $0xb8;
	[tilespmem:$0x8080] =	vst v63  }
0x5a: {  	_ = 	snop  }
0x5b: {  	[tilespmem:s21], [sflag:$0x1] =	stream.indirect_vreg.gather [hbm4b:s3+s2], $0x80, v3, vm0, $0xb8;
	[tilespmem:$0x8080] =	vst v63  }
0x5c: {  	v3 =	vld [tilespmem:$0x70];
	_ =	sdelay $0x4  }
0x5d: {  	v63 =	vshll.u32 v3, $0x1  }
0x5e: {  	v3 =	vand.u32 $0x7, v3;
	v4 =	vand.u32 $0xFFFFFFF0, v63  }
0x5f: {  	v3 =	vor.u32 v3, v4  }
0x60: {  	v4 =	vperm.xlane v3, v0;
	_ =	sdelay $0x1  }
0x61: {  	v3 =	vperm.xlane v3, v2;
	v4 =	vadd.s32 v1, v4;
	_ =	sdelay $0x1  }
0x62: {  	v3 =	vadd.s32 v1, v3;
	_ =	sdelay $0x2  }
0x63: {  	[tilespmem:s22], [sflag:$0x1] =	stream.indirect_vreg.gather [hbm4b:s3+s2], $0x80, v4, vm0, $0xb8;
	[tilespmem:$0x8080] =	vst v63  }
0x64: {  	_ = 	snop  }
0x65: {  	[tilespmem:s23], [sflag:$0x1] =	stream.indirect_vreg.gather [hbm4b:s3+s2], $0x80, v3, vm0, $0xb8;
	[tilespmem:$0x8080] =	vst v63  }
0x66: {  	_ =	swait.ge [sflag:s24], $0x8000  }
0x67: {  	p0 =	sne.s32 s28, $0xB0;
	[sflag:s24] =	ssyncset.done $0x0  }
.Ltmp0:
0x68: {  	[sflag:s24] =	ssyncadd.s32 $0xFFFF8000;
	(pc) =	sbr.rel @p0 .LBB2_2-.Ltmp0, $4  }
0x69: {  	[hbm4b:s26+s2] =	stream.linear.scatter [tilespmem:s8], [sflag:$0x2], $0x8000, $0x38;
	[tilespmem:$0x8080] =	vst v63  }
0x6a: {  	_ =	swait.ge [sflag:s7], $0x8000  }
0x6b: {  	[sflag:s7] =	ssyncset.done $0x0  }
0x6c: {  	s28 =	sadd.s32 $0x10, s28;
	s26 =	sadd.s32 $0x1000, s26;
	[sflag:s7] =	ssyncadd.s32 $0xFFFF8000  }
0x6d: {  	s25 =	sadd.s32 $0x1, s25  }
0x6e: {  	p0 =	sne.s32 s25, s4  }
.Ltmp1:
0x6f: {  	_ = 	snop;
	(pc) =	sbr.rel @p0 .LBB2_1-.Ltmp1, $1  }
0x70: {  	_ =	sdelay $0x3  }
0x71: {  	_ =	sfence.sel $0x180000  }
0x72: {  	[bflag:$0x0] =	sbarrier.arrive $0xFFFF  }
0x73: {  	p0 =	sne.s32 s1, $0x0;
	_ =	strace $0x90000050  }
0x74: {  	s0 =	sadd.s32 @!p0 $0x100000, s0;
	[bflag:$0x2] =	sbarrier.arrive $0xFFFF  }
0x75: {  	[sflag:s0] =	ssyncadd.tile.s32 @!p0 $0x1;
	_ =	shalt  }
.Lfunc_end2:
_tile_overlayer_lowered:
.L_overlay_start_2:
0x76: {  	(tag) =	ssettag $0x2  }
0x77: {  	s0 =	rddreg [dreg:$0x0];
	s2 =	stileid.u32  }
0x78: {  	s1 =	rddreg [dreg:$0x1];
	p0 =	sne.s32 s2, $0x0  }
0x79: {  	s3 =	rddreg [dreg:$0x2];
	[bflag:$0x3] =	sbarrier.arrive $0xFFFF;
	s2 =	simm.s32 @!p0 $0x1C02  }
0x7a: {  	[timem:s3], [sflag:s2] =	dma.local @!p0 [hbm:s0], s1  }
0x7b: {  	s0 =	simm.s32 @!p0 $0x2  }
0x7c: {  	_ =	swait.ge @!p0 [sflag:s0], s1  }
0x7d: {  	s1 =	ssub.s32 @!p0 $0x0, s1;
	[sflag:s0] =	ssyncset.done @!p0 $0x0  }
0x7e: {  	[sflag:s0] =	ssyncadd.s32 @!p0 s1  }
0x7f: {  	[bflag:$0x3] =	sbarrier.arrive $0xFFFF  }
0x80: {  	_ =	shalt  }

// kernel: kernel.25.cloned.1.call-start
scs
__scs_entry_jumppad:
0x0: {  	(pc) =	sbr.rel $0x88, $3  }
0x1: {  	(tag) =	ssettag $0x0;
	lr =	simm.s32 $0x1  }
0x2: {  	[smem:$0x3F99] =	sst lr;
	_ =	strace $0xD0000000  }
0x3: {  	_ = 	snop  }
0x4: {  	_ = 	snop  }
0x5: {  	_ = 	snop  }
0x6: {  	_ = 	snop  }
0x7: {  	_ = 	snop  }
__scs_overlays_trampoline_lowered:
0x8: {  	[smem:$0x3FA8] =	sst s0  }
0x9: {  	[smem:$0x3FA9] =	sst s1  }
0xa: {  	[smem:$0x3FAA] =	sst s2  }
0xb: {  	[smem:$0x3FAB] =	sst s3  }
0xc: {  	[smem:$0x3FAC] =	sst s4  }
0xd: {  	[smem:$0x3FAD] =	sst s5  }
0xe: {  	[smem:$0x3FAE] =	sst s6  }
0xf: {  	[smem:$0x3FAF] =	sst s7  }
0x10: {  	[smem:$0x3FB0] =	sst s8  }
0x11: {  	[smem:$0x3FB1] =	sst s9;
	s0 =	simm.s32 @!p0 $0x0  }
0x12: {  	s1 =	sld [smem:$0x3F97];
	s0 =	simm.s32 @p0 $0x1  }
0x13: {  	[smem:$0x3FB2] =	sst s0;
	s0 =	simm.s32 @!p1 $0x0  }
0x14: {  	s2 =	sld [smem:$0x3F96];
	s0 =	simm.s32 @p1 $0x1  }
0x15: {  	[smem:$0x3FB3] =	sst s0;
	s0 =	simm.s32 @!p2 $0x0  }
0x16: {  	s3 =	sld [smem:$0x3FDB];
	s0 =	simm.s32 @p2 $0x1  }
0x17: {  	s4 =	simm.s32 $0x1BF5;
	[smem:$0x3FB5] =	sst s0  }
0x18: {  	s0 =	sld [smem:$0x3F98];
	_ =	swait.ge [sflag:s4], $0x0  }
0x19: {  	s7 =	sld [smem:$0x3F99]  }
0x1a: {  	s8 =	sadd.s32 $0xFFFFE003, lr  }
0x1b: {  	s9 =	sadd.s32 $0xFFFFFEF7, lr;
	s5 =	simm.s32 $0xFFFFFFFF;
	p2 =	slt.u32 s8, $0xFFFFF086  }
0x1c: {  	p1 =	slt.u32 s9, $0xF7A;
	s5 =	simm.s32 @!p2 $0x0  }
0x1d: {  	s5 =	simm.s32 @p1 $0x1;
	p0 =	seq.s32 s7, s2  }
0x1e: {  	s7 =	smul.u32 @!p0 $0xF7A, s2;
	p2 =	seq.s32 @!p0 s5, $0x0  }
0x1f: {  	s9 =	smul.u32 $0xF7A, s1;
	s8 =	simm.s32 @!p0 $0x1BF5;
	p2 =	por !p2, p0  }
0x20: {  	[sflag:s8] =	ssyncset.s32 @!p0 $0xFFFFF086;
	s6 =	sadd.s32 @!p0 s3, s7;
	s7 =	simm.s32 @!p0 $0x108  }
0x21: {  	s3 =	sadd.s32 s3, s9;
	s6 =	sadd.s32 @!p0 $0x88, s6;
	s7 =	simm.s32 @p2 $0x1082  }
0x22: {  	[simem:s7], [sflag:s8] =	dma.local @!p0 [hbm:s6], $0xF7A  }
0x23: {  	s9 =	sor.u32 $0xD0000000, s2;
	s6 =	simm.s32 $0x108;
	_ =	swait.ge @!p0 [sflag:s8], $0x0  }
0x24: {  	s3 =	sadd.s32 $0x88, s3;
	s6 =	simm.s32 @!p1 $0x1082;
	[sflag:s4] =	ssyncset.s32 $0xFFFFF086  }
0x25: {  	[simem:s6], [sflag:s4] =	dma.local [hbm:s3], $0xF7A  }
0x26: {  	[smem:$0x3F99] =	sst s1;
	(tag) =	ssettag s2;
	_ =	strace s9  }
0x27: {  	s1 =	sld [smem:$0x3FA9]  }
0x28: {  	s2 =	sld [smem:$0x3FAA]  }
0x29: {  	s4 =	sld [smem:$0x3FAC]  }
0x2a: {  	p0 =	seq.s32 s5, $0x0;
	s5 =	sld [smem:$0x3FAD]  }
0x2b: {  	s6 =	sld [smem:$0x3FAE]  }
0x2c: {  	s7 =	sld [smem:$0x3FAF]  }
0x2d: {  	s3 =	simm.s32 $0x108;
	s8 =	sld [smem:$0x3FB0]  }
0x2e: {  	s3 =	simm.s32 @!p0 $0x1082;
	s9 =	sld [smem:$0x3FB1]  }
0x2f: {  	lr =	sadd.s32 s0, s3;
	s0 =	sld [smem:$0x3FA8]  }
0x30: {  	s3 =	sld [smem:$0x3FAB]  }
0x31: {  	[smem:$0x3FB4] =	sst s10  }
0x32: {  	s10 =	sld [smem:$0x3FB2];
	_ =	sdelay $0x3  }
0x33: {  	p0 =	seq.s32 s10, $0x1;
	s10 =	sld [smem:$0x3FB4];
	_ =	sdelay $0x3  }
0x34: {  	[smem:$0x3FB4] =	sst s10  }
0x35: {  	s10 =	sld [smem:$0x3FB3];
	_ =	sdelay $0x3  }
0x36: {  	p1 =	seq.s32 s10, $0x1;
	s10 =	sld [smem:$0x3FB4];
	_ =	sdelay $0x3  }
0x37: {  	[smem:$0x3FB4] =	sst s10  }
0x38: {  	s10 =	sld [smem:$0x3FB5]  }
0x39: {  	_ = 	snop;
	(pc) =	sbr.ind lr, $3  }
0x3a: {  	_ = 	snop  }
0x3b: {  	_ = 	snop  }
0x3c: {  	p2 =	seq.s32 s10, $0x1;
	s10 =	sld [smem:$0x3FB4]  }
0x3d: {  	_ =	shalt  }
0x3e: {  	_ =	shalt  }
0x3f: {  	_ =	shalt  }
0x40: {  	_ =	shalt  }
0x41: {  	_ =	shalt  }
0x42: {  	_ =	shalt  }
0x43: {  	_ =	shalt  }
0x44: {  	_ =	shalt  }
0x45: {  	_ =	shalt  }
0x46: {  	_ =	shalt  }
0x47: {  	_ =	shalt  }
0x48: {  	_ =	shalt  }
0x49: {  	_ =	shalt  }
0x4a: {  	_ =	shalt  }
0x4b: {  	_ =	shalt  }
0x4c: {  	_ =	shalt  }
0x4d: {  	_ =	shalt  }
0x4e: {  	_ =	shalt  }
0x4f: {  	_ =	shalt  }
0x50: {  	_ =	shalt  }
0x51: {  	_ =	shalt  }
0x52: {  	_ =	shalt  }
0x53: {  	_ =	shalt  }
0x54: {  	_ =	shalt  }
0x55: {  	_ =	shalt  }
0x56: {  	_ =	shalt  }
0x57: {  	_ =	shalt  }
0x58: {  	_ =	shalt  }
0x59: {  	_ =	shalt  }
0x5a: {  	_ =	shalt  }
0x5b: {  	_ =	shalt  }
0x5c: {  	_ =	shalt  }
0x5d: {  	_ =	shalt  }
0x5e: {  	_ =	shalt  }
0x5f: {  	_ =	shalt  }
0x60: {  	_ =	shalt  }
0x61: {  	_ =	shalt  }
0x62: {  	_ =	shalt  }
0x63: {  	_ =	shalt  }
0x64: {  	_ =	shalt  }
0x65: {  	_ =	shalt  }
0x66: {  	_ =	shalt  }
0x67: {  	_ =	shalt  }
0x68: {  	_ =	shalt  }
0x69: {  	_ =	shalt  }
0x6a: {  	_ =	shalt  }
0x6b: {  	_ =	shalt  }
0x6c: {  	_ =	shalt  }
0x6d: {  	_ =	shalt  }
0x6e: {  	_ =	shalt  }
0x6f: {  	_ =	shalt  }
0x70: {  	_ =	shalt  }
0x71: {  	_ =	shalt  }
0x72: {  	_ =	shalt  }
0x73: {  	_ =	shalt  }
0x74: {  	_ =	shalt  }
0x75: {  	_ =	shalt  }
0x76: {  	_ =	shalt  }
0x77: {  	_ =	shalt  }
0x78: {  	_ =	shalt  }
0x79: {  	_ =	shalt  }
0x7a: {  	_ =	shalt  }
0x7b: {  	_ =	shalt  }
0x7c: {  	_ =	shalt  }
0x7d: {  	_ =	shalt  }
0x7e: {  	_ =	shalt  }
0x7f: {  	_ =	shalt  }
0x80: {  	_ =	shalt  }
0x81: {  	_ =	shalt  }
0x82: {  	_ =	shalt  }
0x83: {  	_ =	shalt  }
0x84: {  	_ =	shalt  }
0x85: {  	_ =	shalt  }
0x86: {  	_ =	shalt  }
0x87: {  	_ =	shalt  }
.Lfunc_end0:
.L_simem_size_0:
called_computation.4_lowered:
.L_overlay_start_0:
0x88: {  	s2 =	sld [smem:$0x3FD9]  }
0x89: {  	s3 =	sld [smem:$0x3FFE];
	_ =	sdelay $0x1  }
0x8a: {  	s1 =	srdreg.scid  }
0x8b: {  	s0 =	sand.u32 $0x1, s1  }
0x8c: {  	s17 =	sshll.u32 s0, $0xA;
	s2 =	sadd.s32 s3, s2  }
0x8d: {  	s2 =	sadd.s32 s2, s17  }
0x8e: {  	[smem:$0x3FC0] =	sst s2  }
0x8f: {  	_ = 	snop  }
0x90: {  	(tm) =	ssettm $0x1  }
0x91: {  	s18 =	sld [smem:$0x3FFB];
	_ =	sdelay $0x3  }
0x92: {  	_ =	strace s18  }
0x93: {  	s2 =	sld [smem:$0x3FFC];
	_ =	sdelay $0x3  }
0x94: {  	_ =	strace s2  }
0x95: {  	s2 =	sld [smem:$0x3FFD];
	_ =	sdelay $0x3  }
0x96: {  	_ =	strace s2  }
0x97: {  	_ =	strace $0x8FFFFFFF  }
0x98: {  	s19 =	sld [smem:$0x3FDB];
	_ =	sdelay $0x1  }
0x99: {  	s20 =	simm.s32 $_scs_section_size  }
0x9a: {  	s4 =	simm.s32 $_size__tile_overlayer_lowered;
	s5 =	simm.s32 $_tile_overlayer_lowered  }
0x9b: {  	s6 =	simm.s32 $0x1BFF;
	s21 =	sshll.u32 s5, $0x1;
	s3 =	sadd.s32 s20, s19  }
0x9c: {  	s22 =	simm.s32 $0x0;
	s4 =	sshll.u32 s4, $0x1;
	s5 =	sadd.s32 s21, s3  }
0x9d: {  	[timem:s22], [sflag:s6] =	dma.local [hbm:s5], s4  }
0x9e: {  	_ =	swait.ge [sflag:s6], s4  }
0x9f: {  	s4 =	ssub.s32 $0x0, s4;
	[sflag:s6] =	ssyncset.done $0x0  }
0xa0: {  	[sflag:s6] =	ssyncadd.s32 s4;
	_ =	sdelay $0x1  }
0xa1: {  	s23 =	simm.s32 $0x1B8B  }
0xa2: {  	_ =	swait.ge [sflag:s23], $0x1  }
0xa3: {  	[sflag:s23] =	ssyncset.done $0x0  }
0xa4: {  	[sflag:s23] =	ssyncadd.s32 $0xFFFFFFFF  }
0xa5: {  	s4 =	sld [smem:$0x0]  }
0xa6: {  	s5 =	sand.u32 $0xFFFFFFFE, s1  }
0xa7: {  	p0 =	sne.s32 s1, s5  }
0xa8: {  	s5 =	sshll.u32 @p0 s5, $0xE  }
0xa9: {  	s5 =	sadd.s32 @p0 $0x11B8D, s5;
	s6 =	sshll.u32 @p0 s4, $0x11  }
0xaa: {  	s5 =	sor.u32 @p0 s6, s5  }
0xab: {  	[sflag:s5] =	ssyncadd.remote.s32 @p0 $0x1;
	_ =	sdelay $0x1  }
0xac: {  	s5 =	simm.s32 @p0 $0x1B8D  }
0xad: {  	_ =	swait.eq @p0 [sflag:s5], $0x1  }
0xae: {  	[sflag:s5] =	ssyncadd.s32 @p0 $0xFFFFFFFF  }
0xaf: {  	s6 =	sshll.u32 @!p0 s1, $0xE  }
0xb0: {  	s6 =	sor.u32 @!p0 $0x4000, s6;
	s5 =	simm.s32 @!p0 $0x1B8D  }
0xb1: {  	s4 =	sshll.u32 @!p0 s4, $0x11;
	s6 =	sadd.s32 @!p0 $0x11B8D, s6;
	_ =	swait.eq @!p0 [sflag:s5], $0x1  }
0xb2: {  	s4 =	sor.u32 @!p0 s4, s6;
	[sflag:s5] =	ssyncadd.s32 @!p0 $0xFFFFFFFF  }
0xb3: {  	s25 =	simm.s32 $0x1B8E;
	s24 =	sld [smem:$0x3FFE];
	[sflag:s4] =	ssyncadd.remote.s32 @!p0 $0x1  }
0xb4: {  	s26 =	simm.s32 $execute0_lowered;
	[smem:$0x3FD2] =	sst s25  }
0xb5: {  	s5 =	sshll.u32 s26, $0x1;
	_ =	strace $0x80000052;
	[dreg:$0x1] =	wrdreg $0xFFFFFFFF  }
0xb6: {  	s28 =	simm.s32 $_size_execute0_lowered;
	s3 =	sadd.s32 s3, s5;
	[dreg:$0x0] =	wrdreg $0x0  }
0xb7: {  	s5 =	sshll.u32 s28, $0x1;
	[dreg:$0x2] =	wrdreg s3  }
0xb8: {  	[dreg:$0x3] =	wrdreg s5  }
0xb9: {  	[dreg:$0x4] =	wrdreg $0xC0  }
0xba: {  	_ =	task [dreg:s22], $0x5FFFF  }
0xbb: {  	[dreg:$0x1] =	wrdreg $0xFFFFFFFF  }
0xbc: {  	[dreg:$0x0] =	wrdreg $0x60  }
0xbd: {  	[dreg:$0x2] =	wrdreg s24  }
0xbe: {  	[dreg:$0x3] =	wrdreg $0xD  }
0xbf: {  	_ =	task.clear_ibuf [dreg:s22], $0x4FFFF;
	_ =	strace $0x90000052  }
0xc0: {  	s29 =	simm.s32 $0xD;
	_ =	strace $0x80000054  }
0xc1: {  	_ =	swait.ge [sflag:s29], $0x1  }
0xc2: {  	[sflag:s29] =	ssyncadd.s32 $0xFFFFFFFF  }
0xc3: {  	_ =	strace $0x90000054  }
0xc4: {  	_ =	sfence  }
0xc5: {  	s30 =	sld [smem:$0x0];
	_ =	sdelay $0x2  }
0xc6: {  	s31 =	sshll.u32 s1, $0xD;
	s1 =	sshrl.u32 s1, $0x2  }
0xc7: {  	s4 =	sand.u32 $0x4000, s31;
	s1 =	sadd.s32 s1, s30  }
0xc8: {  	s0 =	sor.u32 s4, s0;
	s1 =	sshll.u32 s1, $0x11  }
0xc9: {  	s0 =	sor.u32 s1, s0  }
0xca: {  	s0 =	sadd.s32 $0x8F2B, s0  }
0xcb: {  	[sflag:s0] =	ssyncadd.remote.s32 $0x1  }
0xcc: {  	_ =	sfence.sel $0xFFFF  }
0xcd: {  	[dreg:$0x0] =	wrdreg $0xFFFFFFFF;
	(pc) =	sbr.abs _section_cstart, $3  }
0xce: {  	[dreg:$0x1] =	wrdreg $0xFFFFFFFF  }
0xcf: {  	_ =	task.clear_ibuf [dreg:s22], $0x2FFFF;
	_ =	strace $0x9FFFFFFF  }
0xd0: {  	(tm) =	ssettm $0x7FFFFFFF  }
0xd1: {  	_ =	shalt  }
tec
execute0_lowered:
.L_overlay_start_1:
0x0: {  	(tag) =	ssettag $0x1  }
0x1: {  	s4 =	rddreg [dreg:$0x0]  }
0x2: {  	s0 =	rddreg [dreg:$0x1];
	s2 =	simm.s32 $0x0;
	s3 =	srdreg.scid  }
0x3: {  	s1 =	stileid.u32;
	s10 =	simm.s32 $0x1080;
	s11 =	simm.s32 $0x1880  }
0x4: {  	s12 =	simm.s32 $0x2080;
	s13 =	simm.s32 $0x2880;
	s14 =	simm.s32 $0x3080  }
0x5: {  	s15 =	simm.s32 $0x3880;
	s16 =	simm.s32 $0x4080;
	s17 =	simm.s32 $0x4880  }
0x6: {  	s18 =	simm.s32 $0x5080;
	s19 =	simm.s32 $0x5880;
	s20 =	simm.s32 $0x6080  }
0x7: {  	s21 =	simm.s32 $0x6880;
	s22 =	simm.s32 $0x7080;
	s23 =	simm.s32 $0x7880  }
0x8: {  	s24 =	simm.s32 $0x1;
	s25 =	simm.s32 $0x0;
	s6 =	smul.u32 $0xC00, s1  }
0x9: {  	[smem:$0x7FF] =	sst s2;
	s5 =	sand.u32 $0x1, s3;
	s8 =	smul.u32 $0x18000, s1  }
0xa: {  	s3 =	sadd.s32 $0x2200, s4;
	s7 =	smul.u32 $0x600, s5;
	s9 =	ssub.s32 $0x2, s5  }
0xb: {  	_ =	strace $0x80000053;
	s5 =	smul.u32 $0xC000, s5;
	s31 =	sshrl.u32 s9, $0x1  }
0xc: {  	s8 =	sadd.s32 s8, s4;
	s6 =	sadd.s32 s7, s6;
	s7 =	ssub.s32 s9, s31  }
0xd: {  	v2 =	vlaneseq.u32;
	s5 =	sadd.s32 s5, s8;
	s8 =	simm.s32 $0x80;
	s6 =	sshrl.u32 s6, $0x3  }
0xe: {  	vm0 =	vmmov $0xffff;
	v1 =	vshrl.u32 v2, $0x3;
	s9 =	simm.s32 $0x880;
	s5 =	sadd.s32 $0x795A00, s5;
	s6 =	sadd.s32 s6, s4  }
0xf: {  	v0 =	vand.u32 $0x7, v2;
	v2 =	vor.u32 $0x8, v2;
	v1 =	vmul.u32 $0x8, v1;
	s4 =	smax.u32 s7, $0x1;
	s7 =	simm.s32 $0x2;
	s6 =	sadd.s32 $0x314200, s6  }
.LBB2_1:
0x10: {  	s26 =	smov.u32 s5;
	s28 =	simm.s32 $0x0  }
.LBB2_2:
0x11: {  	s29 =	sadd.s32 s28, s6  }
0x12: {  	[tilespmem:s2], [sflag:$0x2] =	stream.linear.gather [hbm4b:s29+s2], $0x80, $0x38;
	[tilespmem:$0x8080] =	vst v63  }
0x13: {  	_ =	swait.ge [sflag:s7], $0x80  }
0x14: {  	[sflag:s7] =	ssyncset.done $0x0  }
0x15: {  	[sflag:s7] =	ssyncadd.s32 $0xFFFFFF80  }
0x16: {  	v3 =	vld [tilespmem:$0x0];
	_ =	sdelay $0x4  }
0x17: {  	v4 =	vshll.u32 v3, $0x1  }
0x18: {  	v3 =	vand.u32 $0x7, v3;
	v4 =	vand.u32 $0xFFFFFFF0, v4  }
0x19: {  	v3 =	vor.u32 v3, v4  }
0x1a: {  	v4 =	vperm.xlane v3, v0;
	_ =	sdelay $0x1  }
0x1b: {  	v3 =	vperm.xlane v3, v2;
	v4 =	vadd.s32 v1, v4;
	_ =	sdelay $0x1  }
0x1c: {  	v3 =	vadd.s32 v1, v3;
	_ =	sdelay $0x2  }
0x1d: {  	[tilespmem:s8], [sflag:$0x1] =	stream.indirect_vreg.gather [hbm4b:s3+s2], $0x80, v4, vm0, $0xb8;
	[tilespmem:$0x8080] =	vst v63  }
0x1e: {  	_ = 	snop  }
0x1f: {  	[tilespmem:s9], [sflag:$0x1] =	stream.indirect_vreg.gather [hbm4b:s3+s2], $0x80, v3, vm0, $0xb8;
	[tilespmem:$0x8080] =	vst v63  }
0x20: {  	v3 =	vld [tilespmem:$0x10];
	_ =	sdelay $0x4  }
0x21: {  	v57 =	vshll.u32 v3, $0x1  }
0x22: {  	v3 =	vand.u32 $0x7, v3;
	v4 =	vand.u32 $0xFFFFFFF0, v57  }
0x23: {  	v3 =	vor.u32 v3, v4  }
0x24: {  	v4 =	vperm.xlane v3, v0;
	_ =	sdelay $0x1  }
0x25: {  	v3 =	vperm.xlane v3, v2;
	v4 =	vadd.s32 v1, v4;
	_ =	sdelay $0x1  }
0x26: {  	v3 =	vadd.s32 v1, v3;
	_ =	sdelay $0x2  }
0x27: {  	[tilespmem:s10], [sflag:$0x1] =	stream.indirect_vreg.gather [hbm4b:s3+s2], $0x80, v4, vm0, $0xb8;
	[tilespmem:$0x8080] =	vst v63  }
0x28: {  	_ = 	snop  }
0x29: {  	[tilespmem:s11], [sflag:$0x1] =	stream.indirect_vreg.gather [hbm4b:s3+s2], $0x80, v3, vm0, $0xb8;
	[tilespmem:$0x8080] =	vst v63  }
0x2a: {  	v3 =	vld [tilespmem:$0x20];
	_ =	sdelay $0x4  }
0x2b: {  	v58 =	vshll.u32 v3, $0x1  }
0x2c: {  	v3 =	vand.u32 $0x7, v3;
	v4 =	vand.u32 $0xFFFFFFF0, v58  }
0x2d: {  	v3 =	vor.u32 v3, v4  }
0x2e: {  	v4 =	vperm.xlane v3, v0;
	_ =	sdelay $0x1  }
0x2f: {  	v3 =	vperm.xlane v3, v2;
	v4 =	vadd.s32 v1, v4;
	_ =	sdelay $0x1  }
0x30: {  	v3 =	vadd.s32 v1, v3;
	_ =	sdelay $0x2  }
0x31: {  	[tilespmem:s12], [sflag:$0x1] =	stream.indirect_vreg.gather [hbm4b:s3+s2], $0x80, v4, vm0, $0xb8;
	[tilespmem:$0x8080] =	vst v63  }
0x32: {  	_ = 	snop  }
0x33: {  	[tilespmem:s13], [sflag:$0x1] =	stream.indirect_vreg.gather [hbm4b:s3+s2], $0x80, v3, vm0, $0xb8;
	[tilespmem:$0x8080] =	vst v63  }
0x34: {  	v3 =	vld [tilespmem:$0x30];
	_ =	sdelay $0x4  }
0x35: {  	v59 =	vshll.u32 v3, $0x1  }
0x36: {  	v3 =	vand.u32 $0x7, v3;
	v4 =	vand.u32 $0xFFFFFFF0, v59  }
0x37: {  	v3 =	vor.u32 v3, v4  }
0x38: {  	v4 =	vperm.xlane v3, v0;
	_ =	sdelay $0x1  }
0x39: {  	v3 =	vperm.xlane v3, v2;
	v4 =	vadd.s32 v1, v4;
	_ =	sdelay $0x1  }
0x3a: {  	v3 =	vadd.s32 v1, v3;
	_ =	sdelay $0x2  }
0x3b: {  	[tilespmem:s14], [sflag:$0x1] =	stream.indirect_vreg.gather [hbm4b:s3+s2], $0x80, v4, vm0, $0xb8;
	[tilespmem:$0x8080] =	vst v63  }
0x3c: {  	_ = 	snop  }
0x3d: {  	[tilespmem:s15], [sflag:$0x1] =	stream.indirect_vreg.gather [hbm4b:s3+s2], $0x80, v3, vm0, $0xb8;
	[tilespmem:$0x8080] =	vst v63  }
0x3e: {  	v3 =	vld [tilespmem:$0x40];
	_ =	sdelay $0x4  }
0x3f: {  	v60 =	vshll.u32 v3, $0x1  }
0x40: {  	v3 =	vand.u32 $0x7, v3;
	v4 =	vand.u32 $0xFFFFFFF0, v60  }
0x41: {  	v3 =	vor.u32 v3, v4  }
0x42: {  	v4 =	vperm.xlane v3, v0;
	_ =	sdelay $0x1  }
0x43: {  	v3 =	vperm.xlane v3, v2;
	v4 =	vadd.s32 v1, v4;
	_ =	sdelay $0x1  }
0x44: {  	v3 =	vadd.s32 v1, v3;
	_ =	sdelay $0x2  }
0x45: {  	[tilespmem:s16], [sflag:$0x1] =	stream.indirect_vreg.gather [hbm4b:s3+s2], $0x80, v4, vm0, $0xb8;
	[tilespmem:$0x8080] =	vst v63  }
0x46: {  	_ = 	snop  }
0x47: {  	[tilespmem:s17], [sflag:$0x1] =	stream.indirect_vreg.gather [hbm4b:s3+s2], $0x80, v3, vm0, $0xb8;
	[tilespmem:$0x8080] =	vst v63  }
0x48: {  	v3 =	vld [tilespmem:$0x50];
	_ =	sdelay $0x4  }
0x49: {  	v61 =	vshll.u32 v3, $0x1  }
0x4a: {  	v3 =	vand.u32 $0x7, v3;
	v4 =	vand.u32 $0xFFFFFFF0, v61  }
0x4b: {  	v3 =	vor.u32 v3, v4  }
0x4c: {  	v4 =	vperm.xlane v3, v0;
	_ =	sdelay $0x1  }
0x4d: {  	v3 =	vperm.xlane v3, v2;
	v4 =	vadd.s32 v1, v4;
	_ =	sdelay $0x1  }
0x4e: {  	v3 =	vadd.s32 v1, v3;
	_ =	sdelay $0x2  }
0x4f: {  	[tilespmem:s18], [sflag:$0x1] =	stream.indirect_vreg.gather [hbm4b:s3+s2], $0x80, v4, vm0, $0xb8;
	[tilespmem:$0x8080] =	vst v63  }
0x50: {  	_ = 	snop  }
0x51: {  	[tilespmem:s19], [sflag:$0x1] =	stream.indirect_vreg.gather [hbm4b:s3+s2], $0x80, v3, vm0, $0xb8;
	[tilespmem:$0x8080] =	vst v63  }
0x52: {  	v3 =	vld [tilespmem:$0x60];
	_ =	sdelay $0x4  }
0x53: {  	v62 =	vshll.u32 v3, $0x1  }
0x54: {  	v3 =	vand.u32 $0x7, v3;
	v4 =	vand.u32 $0xFFFFFFF0, v62  }
0x55: {  	v3 =	vor.u32 v3, v4  }
0x56: {  	v4 =	vperm.xlane v3, v0;
	_ =	sdelay $0x1  }
0x57: {  	v3 =	vperm.xlane v3, v2;
	v4 =	vadd.s32 v1, v4;
	_ =	sdelay $0x1  }
0x58: {  	v3 =	vadd.s32 v1, v3;
	_ =	sdelay $0x2  }
0x59: {  	[tilespmem:s20], [sflag:$0x1] =	stream.indirect_vreg.gather [hbm4b:s3+s2], $0x80, v4, vm0, $0xb8;
	[tilespmem:$0x8080] =	vst v63  }
0x5a: {  	_ = 	snop  }
0x5b: {  	[tilespmem:s21], [sflag:$0x1] =	stream.indirect_vreg.gather [hbm4b:s3+s2], $0x80, v3, vm0, $0xb8;
	[tilespmem:$0x8080] =	vst v63  }
0x5c: {  	v3 =	vld [tilespmem:$0x70];
	_ =	sdelay $0x4  }
0x5d: {  	v63 =	vshll.u32 v3, $0x1  }
0x5e: {  	v3 =	vand.u32 $0x7, v3;
	v4 =	vand.u32 $0xFFFFFFF0, v63  }
0x5f: {  	v3 =	vor.u32 v3, v4  }
0x60: {  	v4 =	vperm.xlane v3, v0;
	_ =	sdelay $0x1  }
0x61: {  	v3 =	vperm.xlane v3, v2;
	v4 =	vadd.s32 v1, v4;
	_ =	sdelay $0x1  }
0x62: {  	v3 =	vadd.s32 v1, v3;
	_ =	sdelay $0x2  }
0x63: {  	[tilespmem:s22], [sflag:$0x1] =	stream.indirect_vreg.gather [hbm4b:s3+s2], $0x80, v4, vm0, $0xb8;
	[tilespmem:$0x8080] =	vst v63  }
0x64: {  	_ = 	snop  }
0x65: {  	[tilespmem:s23], [sflag:$0x1] =	stream.indirect_vreg.gather [hbm4b:s3+s2], $0x80, v3, vm0, $0xb8;
	[tilespmem:$0x8080] =	vst v63  }
0x66: {  	_ =	swait.ge [sflag:s24], $0x8000  }
0x67: {  	p0 =	sne.s32 s28, $0xB0;
	[sflag:s24] =	ssyncset.done $0x0  }
.Ltmp0:
0x68: {  	[sflag:s24] =	ssyncadd.s32 $0xFFFF8000;
	(pc) =	sbr.rel @p0 .LBB2_2-.Ltmp0, $4  }
0x69: {  	[hbm4b:s26+s2] =	stream.linear.scatter [tilespmem:s8], [sflag:$0x2], $0x8000, $0x38;
	[tilespmem:$0x8080] =	vst v63  }
0x6a: {  	_ =	swait.ge [sflag:s7], $0x8000  }
0x6b: {  	[sflag:s7] =	ssyncset.done $0x0  }
0x6c: {  	s28 =	sadd.s32 $0x10, s28;
	s26 =	sadd.s32 $0x1000, s26;
	[sflag:s7] =	ssyncadd.s32 $0xFFFF8000  }
0x6d: {  	s25 =	sadd.s32 $0x1, s25  }
0x6e: {  	p0 =	sne.s32 s25, s4  }
.Ltmp1:
0x6f: {  	_ = 	snop;
	(pc) =	sbr.rel @p0 .LBB2_1-.Ltmp1, $1  }
0x70: {  	_ =	sdelay $0x3  }
0x71: {  	_ =	sfence.sel $0x180000  }
0x72: {  	[bflag:$0x0] =	sbarrier.arrive $0xFFFF  }
0x73: {  	p0 =	sne.s32 s1, $0x0;
	_ =	strace $0x90000053  }
0x74: {  	s0 =	sadd.s32 @!p0 $0x100000, s0;
	[bflag:$0x2] =	sbarrier.arrive $0xFFFF  }
0x75: {  	[sflag:s0] =	ssyncadd.tile.s32 @!p0 $0x1;
	_ =	shalt  }
.Lfunc_end2:
_tile_overlayer_lowered:
.L_overlay_start_2:
0x76: {  	(tag) =	ssettag $0x2  }
0x77: {  	s0 =	rddreg [dreg:$0x0];
	s2 =	stileid.u32  }
0x78: {  	s1 =	rddreg [dreg:$0x1];
	p0 =	sne.s32 s2, $0x0  }
0x79: {  	s3 =	rddreg [dreg:$0x2];
	[bflag:$0x3] =	sbarrier.arrive $0xFFFF;
	s2 =	simm.s32 @!p0 $0x1C02  }
0x7a: {  	[timem:s3], [sflag:s2] =	dma.local @!p0 [hbm:s0], s1  }
0x7b: {  	s0 =	simm.s32 @!p0 $0x2  }
0x7c: {  	_ =	swait.ge @!p0 [sflag:s0], s1  }
0x7d: {  	s1 =	ssub.s32 @!p0 $0x0, s1;
	[sflag:s0] =	ssyncset.done @!p0 $0x0  }
0x7e: {  	[sflag:s0] =	ssyncadd.s32 @!p0 s1  }
0x7f: {  	[bflag:$0x3] =	sbarrier.arrive $0xFFFF  }
0x80: {  	_ =	shalt  }

</sc_bundles>
